<compile_context>
chip_gen: v7x
topology: tpu7x:2x2x1
jax: 0.10.2.dev20260603
libtpu: 0.0.44.dev20260713+nightly
codegen_flags: <defaults>
</compile_context>

<pallas_src>
import functools

import jax
import jax.numpy as jnp
from jax import lax
from jax.experimental import pallas as pl
from jax.experimental.pallas import tpu as pltpu
from jax.experimental.pallas import tpu_sc as plsc

K_TOTAL = 8192
D_DIM = 256
K_CHUNK = 2048


G_ROWS = 16


def _argmin_body(z_ref, emb_ref, out_ref):
    zb = z_ref[0]
    T = zb.shape[1]
    z2 = jnp.sum(zb * zb, axis=0, keepdims=True)
    zb2 = zb + zb
    n_folds = K_CHUNK // G_ROWS

    def step(c, carry):
        rminv, rmini = carry
        ech = emb_ref[pl.ds(c * K_CHUNK, K_CHUNK), :]
        e2 = jnp.sum(ech * ech, axis=1, keepdims=True)
        m2 = jnp.dot(ech, zb2, preferred_element_type=jnp.float32)
        for f in range(n_folds):
            dsub = (z2 + e2[f * G_ROWS:(f + 1) * G_ROWS]) \
                - m2[f * G_ROWS:(f + 1) * G_ROWS]
            take = dsub < rminv
            fidx = jnp.float32(c * n_folds + f)
            rminv = jnp.where(take, dsub, rminv)
            rmini = jnp.where(take, fidx, rmini)
        return (rminv, rmini)

    rminv0 = jnp.full((G_ROWS, T), jnp.inf, dtype=jnp.float32)
    rmini0 = jnp.zeros((G_ROWS, T), dtype=jnp.float32)
    rminv, rmini = lax.fori_loop(0, K_TOTAL // K_CHUNK, step, (rminv0, rmini0))

    gmin = jnp.min(rminv, axis=0, keepdims=True)
    g_iota = lax.broadcasted_iota(jnp.int32, (G_ROWS, T), 0).astype(jnp.float32)
    k_cand = rmini * jnp.float32(G_ROWS) + g_iota
    cidx = jnp.min(
        jnp.where(rminv == gmin, k_cand, jnp.float32(2**30)),
        axis=0, keepdims=True,
    )
    out_ref[0] = cidx.astype(jnp.int32)


def _tc_argmin(z, embeddings):
    B, D, T = z.shape
    return pl.pallas_call(
        _argmin_body,
        grid=(B,),
        in_specs=[
            pl.BlockSpec((1, D, T), lambda b: (b, 0, 0)),
            pl.BlockSpec((K_TOTAL, D), lambda b: (0, 0)),
        ],
        out_specs=pl.BlockSpec((1, 1, T), lambda b: (b, 0, 0)),
        out_shape=jax.ShapeDtypeStruct((B, 1, T), jnp.int32),
        compiler_params=pltpu.CompilerParams(
            dimension_semantics=("parallel",),
        ),
    )(z, embeddings)


def _sc_gather(table, idx):
    N = idx.shape[0]
    D = table.shape[1]
    NC, NS = 2, 16
    NW = NC * NS
    b_per_w = N // NW
    mesh = plsc.VectorSubcoreMesh(core_axis_name="c", subcore_axis_name="s")

    @functools.partial(
        pl.kernel,
        mesh=mesh,
        out_type=jax.ShapeDtypeStruct((N, D), jnp.float32),
        scratch_types=[
            pltpu.VMEM((b_per_w,), jnp.int32),
            pltpu.VMEM((b_per_w, D), jnp.float32),
            pltpu.SemaphoreType.DMA,
        ],
    )
    def gather_k(table_hbm, idx_hbm, out_hbm, idx_v, rows_v, sem):
        wid = lax.axis_index("s") * NC + lax.axis_index("c")
        base = wid * b_per_w
        pltpu.sync_copy(idx_hbm.at[pl.ds(base, b_per_w)], idx_v)
        pltpu.async_copy(table_hbm.at[idx_v], rows_v, sem).wait()
        pltpu.sync_copy(rows_v, out_hbm.at[pl.ds(base, b_per_w)])

    return gather_k(table, idx)


def kernel(z, embeddings):
    B, D, T = z.shape
    idx = _tc_argmin(z, embeddings).reshape(B * T)
    rows = _sc_gather(embeddings, idx)
    vq = jnp.transpose(rows.reshape(B, T, D), (0, 2, 1))
    return z + (vq - z)

# --- scband reference (transcript-rebuilt; emitter-appended) ---
"""Pipeline reference for scband-emavector-quantizer-65377992180178 (READ-ONLY COPY).

The authoritative reference and input builder live on the scoring server;
editing this copy changes nothing except your own understanding.
"""

import jax, jax.numpy as jnp
import numpy as np

Z_NUM = 8192
Z_DIM = 256

def setup_inputs(seed: int = 0) -> dict:
    key = jax.random.key(seed)
    k1, k2 = jax.random.split(key)
    z = jax.random.normal(k1, (8, 256, 576), dtype=jnp.float32)
    # embeddings buffer, as if already initialized from data (init_emb)
    embeddings = jax.random.normal(k2, (Z_NUM, Z_DIM), dtype=jnp.float32)
    return {"z": z, "embeddings": embeddings}

def reference(z, embeddings):
    # time_last=True path: z is [B, D, T]
    B, D, T = z.shape
    zf = jnp.transpose(z, (0, 2, 1)).reshape(-1, D)  # [B*T, D]
    # nearest-codebook search (no grad through this in torch: torch.no_grad)
    zf_sg = jax.lax.stop_gradient(zf)
    emb_sg = jax.lax.stop_gradient(embeddings)
    distances = (jnp.sum(zf_sg ** 2, axis=1, keepdims=True)
                 + jnp.sum(emb_sg ** 2, axis=1)
                 - 2.0 * jnp.matmul(zf_sg, emb_sg.T))  # [B*T, K]
    encoding_idx = jnp.argmin(distances, axis=1)  # [B*T]
    z_vq = jnp.take(emb_sg, encoding_idx, axis=0)  # [B*T, D]
    # straight-through estimator: z_vq = z + (z_vq - z).detach()
    z_vq = zf + jax.lax.stop_gradient(z_vq - zf)
    z_vq = z_vq.reshape(B, T, D)
    z_vq = jnp.transpose(z_vq, (0, 2, 1))  # back to [B, D, T]
    return z_vq

if __name__ == "__main__":
    import jax
    _d = setup_inputs()
    print(jax.jit(kernel)(*tuple(_d.values())))

</pallas_src>

<mosaic_0001>
#map = affine_map<(d0, d1) -> (0, 0)>
#map1 = affine_map<(d0, d1) -> (0)>
module attributes {stable_mosaic.version = 14 : i64} {
  func.func @gather_k(%arg0: i32, %arg1: i32, %arg2: memref<8192x256xf32, #tpu.memory_space<hbm>>, %arg3: memref<4608xi32, #tpu.memory_space<hbm>>, %arg4: memref<4608x256xf32, #tpu.memory_space<hbm>>, %arg5: memref<144xi32, #tpu.memory_space<vmem>>, %arg6: memref<144x256xf32, #tpu.memory_space<vmem>>, %arg7: memref<!tpu.dma_semaphore, #tpu.memory_space<semaphore_mem>>) attributes {dimension_semantics = [#tpu.dimension_semantics<core_parallel>, #tpu.dimension_semantics<subcore_parallel>], iteration_bounds = array<i64: 2, 16>, scalar_prefetch = 0 : i64, scratch_operands = 3 : i64, tpu.core_type = #tpu.core_type<sc_vector_subcore>, window_params = [{transform_indices = #map}, {transform_indices = #map1}, {transform_indices = #map}]} {
    %mul3A = arith.constant 2 : i32
    %mul3A_0 = arith.muli %arg1, %mul3A : i32
    %add3A = arith.addi %mul3A_0, %arg0 : i32
    %mul3A_1 = arith.constant 144 : i32
    %mul3A_2 = arith.muli %add3A, %mul3A_1 : i32
    "tpu.region"() ({
      %run_scoped3A = tpu.sem_alloc : memref<!tpu.dma_semaphore, #tpu.memory_space<semaphore_mem>>
      %dma_start3A_7 = tpu.memref_slice %arg3[%mul3A_2] : memref<4608xi32, #tpu.memory_space<hbm>> -> memref<144xi32, #tpu.memory_space<hbm>>
      %dma_start3A_8 = tpu.memref_slice %arg3[%mul3A_2] : memref<4608xi32, #tpu.memory_space<hbm>> -> memref<144xi32, #tpu.memory_space<hbm>>
      tpu.enqueue_dma source(%dma_start3A_8 : memref<144xi32, #tpu.memory_space<hbm>>) target(%arg5 : memref<144xi32, #tpu.memory_space<vmem>>) target_semaphore(%run_scoped3A : memref<!tpu.dma_semaphore, #tpu.memory_space<semaphore_mem>>)
      %dma_wait3A_9 = tpu.memref_slice %arg3[%mul3A_2] : memref<4608xi32, #tpu.memory_space<hbm>> -> memref<144xi32, #tpu.memory_space<hbm>>
      %dma_wait3A_10 = tpu.memref_slice %arg3[%mul3A_2] : memref<4608xi32, #tpu.memory_space<hbm>> -> memref<144xi32, #tpu.memory_space<hbm>>
      tpu.wait_dma2 semaphore(%run_scoped3A : memref<!tpu.dma_semaphore, #tpu.memory_space<semaphore_mem>>) src(%dma_wait3A_10 : memref<144xi32, #tpu.memory_space<hbm>>) dst(%arg5 : memref<144xi32, #tpu.memory_space<vmem>>)
      tpu.yield
    }) : () -> ()
    %dma_start3A = arith.constant 0 : i32
    %dma_start3A_3 = arith.constant 0 : i32
    %dma_start3A_4 = tpu.memref_slice %arg2[%dma_start3A, %dma_start3A_3] : memref<8192x256xf32, #tpu.memory_space<hbm>> -> memref<8192x256xf32, #tpu.memory_space<hbm>>
    tpu.enqueue_indirect_dma source(%dma_start3A_4 : memref<8192x256xf32, #tpu.memory_space<hbm>>) target(%arg6 : memref<144x256xf32, #tpu.memory_space<vmem>>) offsets(%arg5 : memref<144xi32, #tpu.memory_space<vmem>>) semaphore(%arg7 : memref<!tpu.dma_semaphore, #tpu.memory_space<semaphore_mem>>)
    %dma_wait3A = arith.constant 0 : i32
    %dma_wait3A_5 = arith.constant 0 : i32
    %dma_wait3A_6 = tpu.memref_slice %arg2[%dma_wait3A, %dma_wait3A_5] : memref<8192x256xf32, #tpu.memory_space<hbm>> -> memref<8192x256xf32, #tpu.memory_space<hbm>>
    tpu.wait_indirect_dma semaphore(%arg7 : memref<!tpu.dma_semaphore, #tpu.memory_space<semaphore_mem>>) src(%dma_wait3A_6 : memref<8192x256xf32, #tpu.memory_space<hbm>>) dst(%arg6 : memref<144x256xf32, #tpu.memory_space<vmem>>)
    "tpu.region"() ({
      %run_scoped3A = tpu.sem_alloc : memref<!tpu.dma_semaphore, #tpu.memory_space<semaphore_mem>>
      %dma_start3A_7 = arith.constant 0 : i32
      %dma_start3A_8 = tpu.memref_slice %arg4[%mul3A_2, %dma_start3A_7] : memref<4608x256xf32, #tpu.memory_space<hbm>> -> memref<144x256xf32, #tpu.memory_space<hbm>>
      %dma_start3A_9 = arith.constant 0 : i32
      %dma_start3A_10 = tpu.memref_slice %arg4[%mul3A_2, %dma_start3A_9] : memref<4608x256xf32, #tpu.memory_space<hbm>> -> memref<144x256xf32, #tpu.memory_space<hbm>>
      tpu.enqueue_dma source(%arg6 : memref<144x256xf32, #tpu.memory_space<vmem>>) target(%dma_start3A_10 : memref<144x256xf32, #tpu.memory_space<hbm>>) target_semaphore(%run_scoped3A : memref<!tpu.dma_semaphore, #tpu.memory_space<semaphore_mem>>)
      %dma_wait3A_11 = arith.constant 0 : i32
      %dma_wait3A_12 = tpu.memref_slice %arg4[%mul3A_2, %dma_wait3A_11] : memref<4608x256xf32, #tpu.memory_space<hbm>> -> memref<144x256xf32, #tpu.memory_space<hbm>>
      %dma_wait3A_13 = arith.constant 0 : i32
      %dma_wait3A_14 = tpu.memref_slice %arg4[%mul3A_2, %dma_wait3A_13] : memref<4608x256xf32, #tpu.memory_space<hbm>> -> memref<144x256xf32, #tpu.memory_space<hbm>>
      tpu.wait_dma2 semaphore(%run_scoped3A : memref<!tpu.dma_semaphore, #tpu.memory_space<semaphore_mem>>) src(%arg6 : memref<144x256xf32, #tpu.memory_space<vmem>>) dst(%dma_wait3A_14 : memref<144x256xf32, #tpu.memory_space<hbm>>)
      tpu.yield
    }) : () -> ()
    return
  }
}

module attributes {stable_mosaic.version = 14 : i64} {
  func.func @_argmin_body(%arg0: i32, %arg1: memref<1x256x576xf32, #tpu.memory_space<vmem>>, %arg2: memref<8192x256xf32, #tpu.memory_space<vmem>>, %arg3: memref<1x1x576xi32, #tpu.memory_space<vmem>>) attributes {dimension_semantics = [#tpu.dimension_semantics<parallel>], iteration_bounds = array<i64: 8>, scalar_prefetch = 0 : i64, scratch_operands = 0 : i64, tpu.core_type = #tpu.core_type<tc>, window_params = [{transform_indices = @transform_0, window_bounds = array<i64: 1, 256, 576>}, {pipeline_mode = #tpu.pipeline_mode<synchronous>, transform_indices = @transform_1, window_bounds = array<i64: 8192, 256>}, {transform_indices = @transform_2, window_bounds = array<i64: 1, 1, 576>}]} {
    %get3A = arith.constant 0 : index
    %get3A_0 = arith.constant 0 : index
    %get3A_1 = arith.constant 0 : index
    %get3A_2 = vector.load %arg1[%get3A, %get3A_0, %get3A_1] : memref<1x256x576xf32, #tpu.memory_space<vmem>>, vector<1x256x576xf32>
    %get3A_3 = vector.shape_cast %get3A_2 : vector<1x256x576xf32> to vector<256x576xf32>
    %mul3A = arith.mulf %get3A_3, %get3A_3 : vector<256x576xf32>
    %reduce_sum3A = arith.constant dense<0.000000e+00> : vector<576xf32>
    %reduce_sum3A_4 = vector.multi_reduction <add>, %mul3A, %reduce_sum3A [0] : vector<256x576xf32> to vector<576xf32>
    %broadcast_in_dim3A = vector.shape_cast %reduce_sum3A_4 : vector<576xf32> to vector<1x576xf32>
    %add3A = arith.addf %get3A_3, %get3A_3 : vector<256x576xf32>
    %broadcast_in_dim3A_5 = arith.constant 0x7F800000 : f32
    %broadcast_in_dim3A_6 = vector.broadcast %broadcast_in_dim3A_5 : f32 to vector<16x576xf32>
    %broadcast_in_dim3A_7 = arith.constant 0.000000e+00 : f32
    %broadcast_in_dim3A_8 = vector.broadcast %broadcast_in_dim3A_7 : f32 to vector<16x576xf32>
    %scan3A = arith.constant 0 : i32
    %scan3A_9 = arith.constant 4 : i32
    %scan3A_10 = arith.addi %scan3A, %scan3A_9 : i32
    %scan3A_11 = arith.constant 1 : i32
    %scan3A_12:2 = scf.for %scan3A_31 = %scan3A to %scan3A_10 step %scan3A_11 iter_args(%scan3A_32 = %broadcast_in_dim3A_6, %scan3A_33 = %broadcast_in_dim3A_8) -> (vector<16x576xf32>, vector<16x576xf32>)  : i32 {
      %mul3A_34 = arith.constant 2048 : i32
      %mul3A_35 = arith.muli %scan3A_31, %mul3A_34 : i32
      %get3A_36 = arith.index_cast %mul3A_35 : i32 to index
      %get3A_37 = arith.constant 0 : index
      %get3A_38 = vector.load %arg2[%get3A_36, %get3A_37] : memref<8192x256xf32, #tpu.memory_space<vmem>>, vector<2048x256xf32>
      %mul3A_39 = arith.mulf %get3A_38, %get3A_38 : vector<2048x256xf32>
      %reduce_sum3A_40 = arith.constant dense<0.000000e+00> : vector<2048xf32>
      %reduce_sum3A_41 = vector.multi_reduction <add>, %mul3A_39, %reduce_sum3A_40 [1] : vector<2048x256xf32> to vector<2048xf32>
      %broadcast_in_dim3A_42 = vector.shape_cast %reduce_sum3A_41 : vector<2048xf32> to vector<2048x1xf32>
      %dot_general3A = arith.constant dense<0.000000e+00> : vector<2048x576xf32>
      %dot_general3A_43 = tpu.matmul %get3A_38, %add3A, %dot_general3A {dimension_numbers = #tpu.dot_dimension_numbers<[1], [0], [0], [1], [0, 0, 1, 1], [], []>, transpose_lhs_hint = false} : vector<2048x256xf32>, vector<256x576xf32>, vector<2048x576xf32> -> vector<2048x576xf32>
      %slice3A = vector.extract_strided_slice %broadcast_in_dim3A_42 {offsets = [0, 0], sizes = [16, 1], strides = [1, 1]} : vector<2048x1xf32> to vector<16x1xf32>
      %add3A_44 = vector.broadcast %broadcast_in_dim3A : vector<1x576xf32> to vector<16x576xf32>
      %add3A_45 = vector.broadcast %slice3A : vector<16x1xf32> to vector<16x576xf32>
      %add3A_46 = arith.addf %add3A_44, %add3A_45 : vector<16x576xf32>
      %slice3A_47 = vector.extract_strided_slice %dot_general3A_43 {offsets = [0, 0], sizes = [16, 576], strides = [1, 1]} : vector<2048x576xf32> to vector<16x576xf32>
      %sub3A = arith.subf %add3A_46, %slice3A_47 : vector<16x576xf32>
      %lt3A = arith.cmpf olt, %sub3A, %scan3A_32 : vector<16x576xf32>
      %mul3A_48 = arith.constant 128 : i32
      %mul3A_49 = arith.muli %scan3A_31, %mul3A_48 : i32
      %add3A_50 = arith.constant 0 : i32
      %add3A_51 = arith.addi %mul3A_49, %add3A_50 : i32
      %convert_element_type3A_52 = arith.sitofp %add3A_51 : i32 to f32
      %select_n3A_53 = arith.select %lt3A, %sub3A, %scan3A_32 : vector<16x576xi1>, vector<16x576xf32>
      %broadcast_in_dim3A_54 = vector.broadcast %convert_element_type3A_52 : f32 to vector<16x576xf32>
      %select_n3A_55 = arith.select %lt3A, %broadcast_in_dim3A_54, %scan3A_33 : vector<16x576xi1>, vector<16x576xf32>
      %slice3A_56 = vector.extract_strided_slice %broadcast_in_dim3A_42 {offsets = [16, 0], sizes = [16, 1], strides = [1, 1]} : vector<2048x1xf32> to vector<16x1xf32>
      %add3A_57 = vector.broadcast %broadcast_in_dim3A : vector<1x576xf32> to vector<16x576xf32>
      %add3A_58 = vector.broadcast %slice3A_56 : vector<16x1xf32> to vector<16x576xf32>
      %add3A_59 = arith.addf %add3A_57, %add3A_58 : vector<16x576xf32>
      %slice3A_60 = vector.extract_strided_slice %dot_general3A_43 {offsets = [16, 0], sizes = [16, 576], strides = [1, 1]} : vector<2048x576xf32> to vector<16x576xf32>
      %sub3A_61 = arith.subf %add3A_59, %slice3A_60 : vector<16x576xf32>
      %lt3A_62 = arith.cmpf olt, %sub3A_61, %select_n3A_53 : vector<16x576xf32>
      %mul3A_63 = arith.constant 128 : i32
      %mul3A_64 = arith.muli %scan3A_31, %mul3A_63 : i32
      %add3A_65 = arith.constant 1 : i32
      %add3A_66 = arith.addi %mul3A_64, %add3A_65 : i32
      %convert_element_type3A_67 = arith.sitofp %add3A_66 : i32 to f32
      %select_n3A_68 = arith.select %lt3A_62, %sub3A_61, %select_n3A_53 : vector<16x576xi1>, vector<16x576xf32>
      %broadcast_in_dim3A_69 = vector.broadcast %convert_element_type3A_67 : f32 to vector<16x576xf32>
      %select_n3A_70 = arith.select %lt3A_62, %broadcast_in_dim3A_69, %select_n3A_55 : vector<16x576xi1>, vector<16x576xf32>
      %slice3A_71 = vector.extract_strided_slice %broadcast_in_dim3A_42 {offsets = [32, 0], sizes = [16, 1], strides = [1, 1]} : vector<2048x1xf32> to vector<16x1xf32>
      %add3A_72 = vector.broadcast %broadcast_in_dim3A : vector<1x576xf32> to vector<16x576xf32>
      %add3A_73 = vector.broadcast %slice3A_71 : vector<16x1xf32> to vector<16x576xf32>
      %add3A_74 = arith.addf %add3A_72, %add3A_73 : vector<16x576xf32>
      %slice3A_75 = vector.extract_strided_slice %dot_general3A_43 {offsets = [32, 0], sizes = [16, 576], strides = [1, 1]} : vector<2048x576xf32> to vector<16x576xf32>
      %sub3A_76 = arith.subf %add3A_74, %slice3A_75 : vector<16x576xf32>
      %lt3A_77 = arith.cmpf olt, %sub3A_76, %select_n3A_68 : vector<16x576xf32>
      %mul3A_78 = arith.constant 128 : i32
      %mul3A_79 = arith.muli %scan3A_31, %mul3A_78 : i32
      %add3A_80 = arith.constant 2 : i32
      %add3A_81 = arith.addi %mul3A_79, %add3A_80 : i32
      %convert_element_type3A_82 = arith.sitofp %add3A_81 : i32 to f32
      %select_n3A_83 = arith.select %lt3A_77, %sub3A_76, %select_n3A_68 : vector<16x576xi1>, vector<16x576xf32>
      %broadcast_in_dim3A_84 = vector.broadcast %convert_element_type3A_82 : f32 to vector<16x576xf32>
      %select_n3A_85 = arith.select %lt3A_77, %broadcast_in_dim3A_84, %select_n3A_70 : vector<16x576xi1>, vector<16x576xf32>
      %slice3A_86 = vector.extract_strided_slice %broadcast_in_dim3A_42 {offsets = [48, 0], sizes = [16, 1], strides = [1, 1]} : vector<2048x1xf32> to vector<16x1xf32>
      %add3A_87 = vector.broadcast %broadcast_in_dim3A : vector<1x576xf32> to vector<16x576xf32>
      %add3A_88 = vector.broadcast %slice3A_86 : vector<16x1xf32> to vector<16x576xf32>
      %add3A_89 = arith.addf %add3A_87, %add3A_88 : vector<16x576xf32>
      %slice3A_90 = vector.extract_strided_slice %dot_general3A_43 {offsets = [48, 0], sizes = [16, 576], strides = [1, 1]} : vector<2048x576xf32> to vector<16x576xf32>
      %sub3A_91 = arith.subf %add3A_89, %slice3A_90 : vector<16x576xf32>
      %lt3A_92 = arith.cmpf olt, %sub3A_91, %select_n3A_83 : vector<16x576xf32>
      %mul3A_93 = arith.constant 128 : i32
      %mul3A_94 = arith.muli %scan3A_31, %mul3A_93 : i32
      %add3A_95 = arith.constant 3 : i32
      %add3A_96 = arith.addi %mul3A_94, %add3A_95 : i32
      %convert_element_type3A_97 = arith.sitofp %add3A_96 : i32 to f32
      %select_n3A_98 = arith.select %lt3A_92, %sub3A_91, %select_n3A_83 : vector<16x576xi1>, vector<16x576xf32>
      %broadcast_in_dim3A_99 = vector.broadcast %convert_element_type3A_97 : f32 to vector<16x576xf32>
      %select_n3A_100 = arith.select %lt3A_92, %broadcast_in_dim3A_99, %select_n3A_85 : vector<16x576xi1>, vector<16x576xf32>
      %slice3A_101 = vector.extract_strided_slice %broadcast_in_dim3A_42 {offsets = [64, 0], sizes = [16, 1], strides = [1, 1]} : vector<2048x1xf32> to vector<16x1xf32>
      %add3A_102 = vector.broadcast %broadcast_in_dim3A : vector<1x576xf32> to vector<16x576xf32>
      %add3A_103 = vector.broadcast %slice3A_101 : vector<16x1xf32> to vector<16x576xf32>
      %add3A_104 = arith.addf %add3A_102, %add3A_103 : vector<16x576xf32>
      %slice3A_105 = vector.extract_strided_slice %dot_general3A_43 {offsets = [64, 0], sizes = [16, 576], strides = [1, 1]} : vector<2048x576xf32> to vector<16x576xf32>
      %sub3A_106 = arith.subf %add3A_104, %slice3A_105 : vector<16x576xf32>
      %lt3A_107 = arith.cmpf olt, %sub3A_106, %select_n3A_98 : vector<16x576xf32>
      %mul3A_108 = arith.constant 128 : i32
      %mul3A_109 = arith.muli %scan3A_31, %mul3A_108 : i32
      %add3A_110 = arith.constant 4 : i32
      %add3A_111 = arith.addi %mul3A_109, %add3A_110 : i32
      %convert_element_type3A_112 = arith.sitofp %add3A_111 : i32 to f32
      %select_n3A_113 = arith.select %lt3A_107, %sub3A_106, %select_n3A_98 : vector<16x576xi1>, vector<16x576xf32>
      %broadcast_in_dim3A_114 = vector.broadcast %convert_element_type3A_112 : f32 to vector<16x576xf32>
      %select_n3A_115 = arith.select %lt3A_107, %broadcast_in_dim3A_114, %select_n3A_100 : vector<16x576xi1>, vector<16x576xf32>
      %slice3A_116 = vector.extract_strided_slice %broadcast_in_dim3A_42 {offsets = [80, 0], sizes = [16, 1], strides = [1, 1]} : vector<2048x1xf32> to vector<16x1xf32>
      %add3A_117 = vector.broadcast %broadcast_in_dim3A : vector<1x576xf32> to vector<16x576xf32>
      %add3A_118 = vector.broadcast %slice3A_116 : vector<16x1xf32> to vector<16x576xf32>
      %add3A_119 = arith.addf %add3A_117, %add3A_118 : vector<16x576xf32>
      %slice3A_120 = vector.extract_strided_slice %dot_general3A_43 {offsets = [80, 0], sizes = [16, 576], strides = [1, 1]} : vector<2048x576xf32> to vector<16x576xf32>
      %sub3A_121 = arith.subf %add3A_119, %slice3A_120 : vector<16x576xf32>
      %lt3A_122 = arith.cmpf olt, %sub3A_121, %select_n3A_113 : vector<16x576xf32>
      %mul3A_123 = arith.constant 128 : i32
      %mul3A_124 = arith.muli %scan3A_31, %mul3A_123 : i32
      %add3A_125 = arith.constant 5 : i32
      %add3A_126 = arith.addi %mul3A_124, %add3A_125 : i32
      %convert_element_type3A_127 = arith.sitofp %add3A_126 : i32 to f32
      %select_n3A_128 = arith.select %lt3A_122, %sub3A_121, %select_n3A_113 : vector<16x576xi1>, vector<16x576xf32>
      %broadcast_in_dim3A_129 = vector.broadcast %convert_element_type3A_127 : f32 to vector<16x576xf32>
      %select_n3A_130 = arith.select %lt3A_122, %broadcast_in_dim3A_129, %select_n3A_115 : vector<16x576xi1>, vector<16x576xf32>
      %slice3A_131 = vector.extract_strided_slice %broadcast_in_dim3A_42 {offsets = [96, 0], sizes = [16, 1], strides = [1, 1]} : vector<2048x1xf32> to vector<16x1xf32>
      %add3A_132 = vector.broadcast %broadcast_in_dim3A : vector<1x576xf32> to vector<16x576xf32>
      %add3A_133 = vector.broadcast %slice3A_131 : vector<16x1xf32> to vector<16x576xf32>
      %add3A_134 = arith.addf %add3A_132, %add3A_133 : vector<16x576xf32>
      %slice3A_135 = vector.extract_strided_slice %dot_general3A_43 {offsets = [96, 0], sizes = [16, 576], strides = [1, 1]} : vector<2048x576xf32> to vector<16x576xf32>
      %sub3A_136 = arith.subf %add3A_134, %slice3A_135 : vector<16x576xf32>
      %lt3A_137 = arith.cmpf olt, %sub3A_136, %select_n3A_128 : vector<16x576xf32>
      %mul3A_138 = arith.constant 128 : i32
      %mul3A_139 = arith.muli %scan3A_31, %mul3A_138 : i32
      %add3A_140 = arith.constant 6 : i32
      %add3A_141 = arith.addi %mul3A_139, %add3A_140 : i32
      %convert_element_type3A_142 = arith.sitofp %add3A_141 : i32 to f32
      %select_n3A_143 = arith.select %lt3A_137, %sub3A_136, %select_n3A_128 : vector<16x576xi1>, vector<16x576xf32>
      %broadcast_in_dim3A_144 = vector.broadcast %convert_element_type3A_142 : f32 to vector<16x576xf32>
      %select_n3A_145 = arith.select %lt3A_137, %broadcast_in_dim3A_144, %select_n3A_130 : vector<16x576xi1>, vector<16x576xf32>
      %slice3A_146 = vector.extract_strided_slice %broadcast_in_dim3A_42 {offsets = [112, 0], sizes = [16, 1], strides = [1, 1]} : vector<2048x1xf32> to vector<16x1xf32>
      %add3A_147 = vector.broadcast %broadcast_in_dim3A : vector<1x576xf32> to vector<16x576xf32>
      %add3A_148 = vector.broadcast %slice3A_146 : vector<16x1xf32> to vector<16x576xf32>
      %add3A_149 = arith.addf %add3A_147, %add3A_148 : vector<16x576xf32>
      %slice3A_150 = vector.extract_strided_slice %dot_general3A_43 {offsets = [112, 0], sizes = [16, 576], strides = [1, 1]} : vector<2048x576xf32> to vector<16x576xf32>
      %sub3A_151 = arith.subf %add3A_149, %slice3A_150 : vector<16x576xf32>
      %lt3A_152 = arith.cmpf olt, %sub3A_151, %select_n3A_143 : vector<16x576xf32>
      %mul3A_153 = arith.constant 128 : i32
      %mul3A_154 = arith.muli %scan3A_31, %mul3A_153 : i32
      %add3A_155 = arith.constant 7 : i32
      %add3A_156 = arith.addi %mul3A_154, %add3A_155 : i32
      %convert_element_type3A_157 = arith.sitofp %add3A_156 : i32 to f32
      %select_n3A_158 = arith.select %lt3A_152, %sub3A_151, %select_n3A_143 : vector<16x576xi1>, vector<16x576xf32>
      %broadcast_in_dim3A_159 = vector.broadcast %convert_element_type3A_157 : f32 to vector<16x576xf32>
      %select_n3A_160 = arith.select %lt3A_152, %broadcast_in_dim3A_159, %select_n3A_145 : vector<16x576xi1>, vector<16x576xf32>
      %slice3A_161 = vector.extract_strided_slice %broadcast_in_dim3A_42 {offsets = [128, 0], sizes = [16, 1], strides = [1, 1]} : vector<2048x1xf32> to vector<16x1xf32>
      %add3A_162 = vector.broadcast %broadcast_in_dim3A : vector<1x576xf32> to vector<16x576xf32>
      %add3A_163 = vector.broadcast %slice3A_161 : vector<16x1xf32> to vector<16x576xf32>
      %add3A_164 = arith.addf %add3A_162, %add3A_163 : vector<16x576xf32>
      %slice3A_165 = vector.extract_strided_slice %dot_general3A_43 {offsets = [128, 0], sizes = [16, 576], strides = [1, 1]} : vector<2048x576xf32> to vector<16x576xf32>
      %sub3A_166 = arith.subf %add3A_164, %slice3A_165 : vector<16x576xf32>
      %lt3A_167 = arith.cmpf olt, %sub3A_166, %select_n3A_158 : vector<16x576xf32>
      %mul3A_168 = arith.constant 128 : i32
      %mul3A_169 = arith.muli %scan3A_31, %mul3A_168 : i32
      %add3A_170 = arith.constant 8 : i32
      %add3A_171 = arith.addi %mul3A_169, %add3A_170 : i32
      %convert_element_type3A_172 = arith.sitofp %add3A_171 : i32 to f32
      %select_n3A_173 = arith.select %lt3A_167, %sub3A_166, %select_n3A_158 : vector<16x576xi1>, vector<16x576xf32>
      %broadcast_in_dim3A_174 = vector.broadcast %convert_element_type3A_172 : f32 to vector<16x576xf32>
      %select_n3A_175 = arith.select %lt3A_167, %broadcast_in_dim3A_174, %select_n3A_160 : vector<16x576xi1>, vector<16x576xf32>
      %slice3A_176 = vector.extract_strided_slice %broadcast_in_dim3A_42 {offsets = [144, 0], sizes = [16, 1], strides = [1, 1]} : vector<2048x1xf32> to vector<16x1xf32>
      %add3A_177 = vector.broadcast %broadcast_in_dim3A : vector<1x576xf32> to vector<16x576xf32>
      %add3A_178 = vector.broadcast %slice3A_176 : vector<16x1xf32> to vector<16x576xf32>
      %add3A_179 = arith.addf %add3A_177, %add3A_178 : vector<16x576xf32>
      %slice3A_180 = vector.extract_strided_slice %dot_general3A_43 {offsets = [144, 0], sizes = [16, 576], strides = [1, 1]} : vector<2048x576xf32> to vector<16x576xf32>
      %sub3A_181 = arith.subf %add3A_179, %slice3A_180 : vector<16x576xf32>
      %lt3A_182 = arith.cmpf olt, %sub3A_181, %select_n3A_173 : vector<16x576xf32>
      %mul3A_183 = arith.constant 128 : i32
      %mul3A_184 = arith.muli %scan3A_31, %mul3A_183 : i32
      %add3A_185 = arith.constant 9 : i32
      %add3A_186 = arith.addi %mul3A_184, %add3A_185 : i32
      %convert_element_type3A_187 = arith.sitofp %add3A_186 : i32 to f32
      %select_n3A_188 = arith.select %lt3A_182, %sub3A_181, %select_n3A_173 : vector<16x576xi1>, vector<16x576xf32>
      %broadcast_in_dim3A_189 = vector.broadcast %convert_element_type3A_187 : f32 to vector<16x576xf32>
      %select_n3A_190 = arith.select %lt3A_182, %broadcast_in_dim3A_189, %select_n3A_175 : vector<16x576xi1>, vector<16x576xf32>
      %slice3A_191 = vector.extract_strided_slice %broadcast_in_dim3A_42 {offsets = [160, 0], sizes = [16, 1], strides = [1, 1]} : vector<2048x1xf32> to vector<16x1xf32>
      %add3A_192 = vector.broadcast %broadcast_in_dim3A : vector<1x576xf32> to vector<16x576xf32>
      %add3A_193 = vector.broadcast %slice3A_191 : vector<16x1xf32> to vector<16x576xf32>
      %add3A_194 = arith.addf %add3A_192, %add3A_193 : vector<16x576xf32>
      %slice3A_195 = vector.extract_strided_slice %dot_general3A_43 {offsets = [160, 0], sizes = [16, 576], strides = [1, 1]} : vector<2048x576xf32> to vector<16x576xf32>
      %sub3A_196 = arith.subf %add3A_194, %slice3A_195 : vector<16x576xf32>
      %lt3A_197 = arith.cmpf olt, %sub3A_196, %select_n3A_188 : vector<16x576xf32>
      %mul3A_198 = arith.constant 128 : i32
      %mul3A_199 = arith.muli %scan3A_31, %mul3A_198 : i32
      %add3A_200 = arith.constant 10 : i32
      %add3A_201 = arith.addi %mul3A_199, %add3A_200 : i32
      %convert_element_type3A_202 = arith.sitofp %add3A_201 : i32 to f32
      %select_n3A_203 = arith.select %lt3A_197, %sub3A_196, %select_n3A_188 : vector<16x576xi1>, vector<16x576xf32>
      %broadcast_in_dim3A_204 = vector.broadcast %convert_element_type3A_202 : f32 to vector<16x576xf32>
      %select_n3A_205 = arith.select %lt3A_197, %broadcast_in_dim3A_204, %select_n3A_190 : vector<16x576xi1>, vector<16x576xf32>
      %slice3A_206 = vector.extract_strided_slice %broadcast_in_dim3A_42 {offsets = [176, 0], sizes = [16, 1], strides = [1, 1]} : vector<2048x1xf32> to vector<16x1xf32>
      %add3A_207 = vector.broadcast %broadcast_in_dim3A : vector<1x576xf32> to vector<16x576xf32>
      %add3A_208 = vector.broadcast %slice3A_206 : vector<16x1xf32> to vector<16x576xf32>
      %add3A_209 = arith.addf %add3A_207, %add3A_208 : vector<16x576xf32>
      %slice3A_210 = vector.extract_strided_slice %dot_general3A_43 {offsets = [176, 0], sizes = [16, 576], strides = [1, 1]} : vector<2048x576xf32> to vector<16x576xf32>
      %sub3A_211 = arith.subf %add3A_209, %slice3A_210 : vector<16x576xf32>
      %lt3A_212 = arith.cmpf olt, %sub3A_211, %select_n3A_203 : vector<16x576xf32>
      %mul3A_213 = arith.constant 128 : i32
      %mul3A_214 = arith.muli %scan3A_31, %mul3A_213 : i32
      %add3A_215 = arith.constant 11 : i32
      %add3A_216 = arith.addi %mul3A_214, %add3A_215 : i32
      %convert_element_type3A_217 = arith.sitofp %add3A_216 : i32 to f32
      %select_n3A_218 = arith.select %lt3A_212, %sub3A_211, %select_n3A_203 : vector<16x576xi1>, vector<16x576xf32>
      %broadcast_in_dim3A_219 = vector.broadcast %convert_element_type3A_217 : f32 to vector<16x576xf32>
      %select_n3A_220 = arith.select %lt3A_212, %broadcast_in_dim3A_219, %select_n3A_205 : vector<16x576xi1>, vector<16x576xf32>
      %slice3A_221 = vector.extract_strided_slice %broadcast_in_dim3A_42 {offsets = [192, 0], sizes = [16, 1], strides = [1, 1]} : vector<2048x1xf32> to vector<16x1xf32>
      %add3A_222 = vector.broadcast %broadcast_in_dim3A : vector<1x576xf32> to vector<16x576xf32>
      %add3A_223 = vector.broadcast %slice3A_221 : vector<16x1xf32> to vector<16x576xf32>
      %add3A_224 = arith.addf %add3A_222, %add3A_223 : vector<16x576xf32>
      %slice3A_225 = vector.extract_strided_slice %dot_general3A_43 {offsets = [192, 0], sizes = [16, 576], strides = [1, 1]} : vector<2048x576xf32> to vector<16x576xf32>
      %sub3A_226 = arith.subf %add3A_224, %slice3A_225 : vector<16x576xf32>
      %lt3A_227 = arith.cmpf olt, %sub3A_226, %select_n3A_218 : vector<16x576xf32>
      %mul3A_228 = arith.constant 128 : i32
      %mul3A_229 = arith.muli %scan3A_31, %mul3A_228 : i32
      %add3A_230 = arith.constant 12 : i32
      %add3A_231 = arith.addi %mul3A_229, %add3A_230 : i32
      %convert_element_type3A_232 = arith.sitofp %add3A_231 : i32 to f32
      %select_n3A_233 = arith.select %lt3A_227, %sub3A_226, %select_n3A_218 : vector<16x576xi1>, vector<16x576xf32>
      %broadcast_in_dim3A_234 = vector.broadcast %convert_element_type3A_232 : f32 to vector<16x576xf32>
      %select_n3A_235 = arith.select %lt3A_227, %broadcast_in_dim3A_234, %select_n3A_220 : vector<16x576xi1>, vector<16x576xf32>
      %slice3A_236 = vector.extract_strided_slice %broadcast_in_dim3A_42 {offsets = [208, 0], sizes = [16, 1], strides = [1, 1]} : vector<2048x1xf32> to vector<16x1xf32>
      %add3A_237 = vector.broadcast %broadcast_in_dim3A : vector<1x576xf32> to vector<16x576xf32>
      %add3A_238 = vector.broadcast %slice3A_236 : vector<16x1xf32> to vector<16x576xf32>
      %add3A_239 = arith.addf %add3A_237, %add3A_238 : vector<16x576xf32>
      %slice3A_240 = vector.extract_strided_slice %dot_general3A_43 {offsets = [208, 0], sizes = [16, 576], strides = [1, 1]} : vector<2048x576xf32> to vector<16x576xf32>
      %sub3A_241 = arith.subf %add3A_239, %slice3A_240 : vector<16x576xf32>
      %lt3A_242 = arith.cmpf olt, %sub3A_241, %select_n3A_233 : vector<16x576xf32>
      %mul3A_243 = arith.constant 128 : i32
      %mul3A_244 = arith.muli %scan3A_31, %mul3A_243 : i32
      %add3A_245 = arith.constant 13 : i32
      %add3A_246 = arith.addi %mul3A_244, %add3A_245 : i32
      %convert_element_type3A_247 = arith.sitofp %add3A_246 : i32 to f32
      %select_n3A_248 = arith.select %lt3A_242, %sub3A_241, %select_n3A_233 : vector<16x576xi1>, vector<16x576xf32>
      %broadcast_in_dim3A_249 = vector.broadcast %convert_element_type3A_247 : f32 to vector<16x576xf32>
      %select_n3A_250 = arith.select %lt3A_242, %broadcast_in_dim3A_249, %select_n3A_235 : vector<16x576xi1>, vector<16x576xf32>
      %slice3A_251 = vector.extract_strided_slice %broadcast_in_dim3A_42 {offsets = [224, 0], sizes = [16, 1], strides = [1, 1]} : vector<2048x1xf32> to vector<16x1xf32>
      %add3A_252 = vector.broadcast %broadcast_in_dim3A : vector<1x576xf32> to vector<16x576xf32>
      %add3A_253 = vector.broadcast %slice3A_251 : vector<16x1xf32> to vector<16x576xf32>
      %add3A_254 = arith.addf %add3A_252, %add3A_253 : vector<16x576xf32>
      %slice3A_255 = vector.extract_strided_slice %dot_general3A_43 {offsets = [224, 0], sizes = [16, 576], strides = [1, 1]} : vector<2048x576xf32> to vector<16x576xf32>
      %sub3A_256 = arith.subf %add3A_254, %slice3A_255 : vector<16x576xf32>
      %lt3A_257 = arith.cmpf olt, %sub3A_256, %select_n3A_248 : vector<16x576xf32>
      %mul3A_258 = arith.constant 128 : i32
      %mul3A_259 = arith.muli %scan3A_31, %mul3A_258 : i32
      %add3A_260 = arith.constant 14 : i32
      %add3A_261 = arith.addi %mul3A_259, %add3A_260 : i32
      %convert_element_type3A_262 = arith.sitofp %add3A_261 : i32 to f32
      %select_n3A_263 = arith.select %lt3A_257, %sub3A_256, %select_n3A_248 : vector<16x576xi1>, vector<16x576xf32>
      %broadcast_in_dim3A_264 = vector.broadcast %convert_element_type3A_262 : f32 to vector<16x576xf32>
      %select_n3A_265 = arith.select %lt3A_257, %broadcast_in_dim3A_264, %select_n3A_250 : vector<16x576xi1>, vector<16x576xf32>
      %slice3A_266 = vector.extract_strided_slice %broadcast_in_dim3A_42 {offsets = [240, 0], sizes = [16, 1], strides = [1, 1]} : vector<2048x1xf32> to vector<16x1xf32>
      %add3A_267 = vector.broadcast %broadcast_in_dim3A : vector<1x576xf32> to vector<16x576xf32>
      %add3A_268 = vector.broadcast %slice3A_266 : vector<16x1xf32> to vector<16x576xf32>
      %add3A_269 = arith.addf %add3A_267, %add3A_268 : vector<16x576xf32>
      %slice3A_270 = vector.extract_strided_slice %dot_general3A_43 {offsets = [240, 0], sizes = [16, 576], strides = [1, 1]} : vector<2048x576xf32> to vector<16x576xf32>
      %sub3A_271 = arith.subf %add3A_269, %slice3A_270 : vector<16x576xf32>
      %lt3A_272 = arith.cmpf olt, %sub3A_271, %select_n3A_263 : vector<16x576xf32>
      %mul3A_273 = arith.constant 128 : i32
      %mul3A_274 = arith.muli %scan3A_31, %mul3A_273 : i32
      %add3A_275 = arith.constant 15 : i32
      %add3A_276 = arith.addi %mul3A_274, %add3A_275 : i32
      %convert_element_type3A_277 = arith.sitofp %add3A_276 : i32 to f32
      %select_n3A_278 = arith.select %lt3A_272, %sub3A_271, %select_n3A_263 : vector<16x576xi1>, vector<16x576xf32>
      %broadcast_in_dim3A_279 = vector.broadcast %convert_element_type3A_277 : f32 to vector<16x576xf32>
      %select_n3A_280 = arith.select %lt3A_272, %broadcast_in_dim3A_279, %select_n3A_265 : vector<16x576xi1>, vector<16x576xf32>
      %slice3A_281 = vector.extract_strided_slice %broadcast_in_dim3A_42 {offsets = [256, 0], sizes = [16, 1], strides = [1, 1]} : vector<2048x1xf32> to vector<16x1xf32>
      %add3A_282 = vector.broadcast %broadcast_in_dim3A : vector<1x576xf32> to vector<16x576xf32>
      %add3A_283 = vector.broadcast %slice3A_281 : vector<16x1xf32> to vector<16x576xf32>
      %add3A_284 = arith.addf %add3A_282, %add3A_283 : vector<16x576xf32>
      %slice3A_285 = vector.extract_strided_slice %dot_general3A_43 {offsets = [256, 0], sizes = [16, 576], strides = [1, 1]} : vector<2048x576xf32> to vector<16x576xf32>
      %sub3A_286 = arith.subf %add3A_284, %slice3A_285 : vector<16x576xf32>
      %lt3A_287 = arith.cmpf olt, %sub3A_286, %select_n3A_278 : vector<16x576xf32>
      %mul3A_288 = arith.constant 128 : i32
      %mul3A_289 = arith.muli %scan3A_31, %mul3A_288 : i32
      %add3A_290 = arith.constant 16 : i32
      %add3A_291 = arith.addi %mul3A_289, %add3A_290 : i32
      %convert_element_type3A_292 = arith.sitofp %add3A_291 : i32 to f32
      %select_n3A_293 = arith.select %lt3A_287, %sub3A_286, %select_n3A_278 : vector<16x576xi1>, vector<16x576xf32>
      %broadcast_in_dim3A_294 = vector.broadcast %convert_element_type3A_292 : f32 to vector<16x576xf32>
      %select_n3A_295 = arith.select %lt3A_287, %broadcast_in_dim3A_294, %select_n3A_280 : vector<16x576xi1>, vector<16x576xf32>
      %slice3A_296 = vector.extract_strided_slice %broadcast_in_dim3A_42 {offsets = [272, 0], sizes = [16, 1], strides = [1, 1]} : vector<2048x1xf32> to vector<16x1xf32>
      %add3A_297 = vector.broadcast %broadcast_in_dim3A : vector<1x576xf32> to vector<16x576xf32>
      %add3A_298 = vector.broadcast %slice3A_296 : vector<16x1xf32> to vector<16x576xf32>
      %add3A_299 = arith.addf %add3A_297, %add3A_298 : vector<16x576xf32>
      %slice3A_300 = vector.extract_strided_slice %dot_general3A_43 {offsets = [272, 0], sizes = [16, 576], strides = [1, 1]} : vector<2048x576xf32> to vector<16x576xf32>
      %sub3A_301 = arith.subf %add3A_299, %slice3A_300 : vector<16x576xf32>
      %lt3A_302 = arith.cmpf olt, %sub3A_301, %select_n3A_293 : vector<16x576xf32>
      %mul3A_303 = arith.constant 128 : i32
      %mul3A_304 = arith.muli %scan3A_31, %mul3A_303 : i32
      %add3A_305 = arith.constant 17 : i32
      %add3A_306 = arith.addi %mul3A_304, %add3A_305 : i32
      %convert_element_type3A_307 = arith.sitofp %add3A_306 : i32 to f32
      %select_n3A_308 = arith.select %lt3A_302, %sub3A_301, %select_n3A_293 : vector<16x576xi1>, vector<16x576xf32>
      %broadcast_in_dim3A_309 = vector.broadcast %convert_element_type3A_307 : f32 to vector<16x576xf32>
      %select_n3A_310 = arith.select %lt3A_302, %broadcast_in_dim3A_309, %select_n3A_295 : vector<16x576xi1>, vector<16x576xf32>
      %slice3A_311 = vector.extract_strided_slice %broadcast_in_dim3A_42 {offsets = [288, 0], sizes = [16, 1], strides = [1, 1]} : vector<2048x1xf32> to vector<16x1xf32>
      %add3A_312 = vector.broadcast %broadcast_in_dim3A : vector<1x576xf32> to vector<16x576xf32>
      %add3A_313 = vector.broadcast %slice3A_311 : vector<16x1xf32> to vector<16x576xf32>
      %add3A_314 = arith.addf %add3A_312, %add3A_313 : vector<16x576xf32>
      %slice3A_315 = vector.extract_strided_slice %dot_general3A_43 {offsets = [288, 0], sizes = [16, 576], strides = [1, 1]} : vector<2048x576xf32> to vector<16x576xf32>
      %sub3A_316 = arith.subf %add3A_314, %slice3A_315 : vector<16x576xf32>
      %lt3A_317 = arith.cmpf olt, %sub3A_316, %select_n3A_308 : vector<16x576xf32>
      %mul3A_318 = arith.constant 128 : i32
      %mul3A_319 = arith.muli %scan3A_31, %mul3A_318 : i32
      %add3A_320 = arith.constant 18 : i32
      %add3A_321 = arith.addi %mul3A_319, %add3A_320 : i32
      %convert_element_type3A_322 = arith.sitofp %add3A_321 : i32 to f32
      %select_n3A_323 = arith.select %lt3A_317, %sub3A_316, %select_n3A_308 : vector<16x576xi1>, vector<16x576xf32>
      %broadcast_in_dim3A_324 = vector.broadcast %convert_element_type3A_322 : f32 to vector<16x576xf32>
      %select_n3A_325 = arith.select %lt3A_317, %broadcast_in_dim3A_324, %select_n3A_310 : vector<16x576xi1>, vector<16x576xf32>
      %slice3A_326 = vector.extract_strided_slice %broadcast_in_dim3A_42 {offsets = [304, 0], sizes = [16, 1], strides = [1, 1]} : vector<2048x1xf32> to vector<16x1xf32>
      %add3A_327 = vector.broadcast %broadcast_in_dim3A : vector<1x576xf32> to vector<16x576xf32>
      %add3A_328 = vector.broadcast %slice3A_326 : vector<16x1xf32> to vector<16x576xf32>
      %add3A_329 = arith.addf %add3A_327, %add3A_328 : vector<16x576xf32>
      %slice3A_330 = vector.extract_strided_slice %dot_general3A_43 {offsets = [304, 0], sizes = [16, 576], strides = [1, 1]} : vector<2048x576xf32> to vector<16x576xf32>
      %sub3A_331 = arith.subf %add3A_329, %slice3A_330 : vector<16x576xf32>
      %lt3A_332 = arith.cmpf olt, %sub3A_331, %select_n3A_323 : vector<16x576xf32>
      %mul3A_333 = arith.constant 128 : i32
      %mul3A_334 = arith.muli %scan3A_31, %mul3A_333 : i32
      %add3A_335 = arith.constant 19 : i32
      %add3A_336 = arith.addi %mul3A_334, %add3A_335 : i32
      %convert_element_type3A_337 = arith.sitofp %add3A_336 : i32 to f32
      %select_n3A_338 = arith.select %lt3A_332, %sub3A_331, %select_n3A_323 : vector<16x576xi1>, vector<16x576xf32>
      %broadcast_in_dim3A_339 = vector.broadcast %convert_element_type3A_337 : f32 to vector<16x576xf32>
      %select_n3A_340 = arith.select %lt3A_332, %broadcast_in_dim3A_339, %select_n3A_325 : vector<16x576xi1>, vector<16x576xf32>
      %slice3A_341 = vector.extract_strided_slice %broadcast_in_dim3A_42 {offsets = [320, 0], sizes = [16, 1], strides = [1, 1]} : vector<2048x1xf32> to vector<16x1xf32>
      %add3A_342 = vector.broadcast %broadcast_in_dim3A : vector<1x576xf32> to vector<16x576xf32>
      %add3A_343 = vector.broadcast %slice3A_341 : vector<16x1xf32> to vector<16x576xf32>
      %add3A_344 = arith.addf %add3A_342, %add3A_343 : vector<16x576xf32>
      %slice3A_345 = vector.extract_strided_slice %dot_general3A_43 {offsets = [320, 0], sizes = [16, 576], strides = [1, 1]} : vector<2048x576xf32> to vector<16x576xf32>
      %sub3A_346 = arith.subf %add3A_344, %slice3A_345 : vector<16x576xf32>
      %lt3A_347 = arith.cmpf olt, %sub3A_346, %select_n3A_338 : vector<16x576xf32>
      %mul3A_348 = arith.constant 128 : i32
      %mul3A_349 = arith.muli %scan3A_31, %mul3A_348 : i32
      %add3A_350 = arith.constant 20 : i32
      %add3A_351 = arith.addi %mul3A_349, %add3A_350 : i32
      %convert_element_type3A_352 = arith.sitofp %add3A_351 : i32 to f32
      %select_n3A_353 = arith.select %lt3A_347, %sub3A_346, %select_n3A_338 : vector<16x576xi1>, vector<16x576xf32>
      %broadcast_in_dim3A_354 = vector.broadcast %convert_element_type3A_352 : f32 to vector<16x576xf32>
      %select_n3A_355 = arith.select %lt3A_347, %broadcast_in_dim3A_354, %select_n3A_340 : vector<16x576xi1>, vector<16x576xf32>
      %slice3A_356 = vector.extract_strided_slice %broadcast_in_dim3A_42 {offsets = [336, 0], sizes = [16, 1], strides = [1, 1]} : vector<2048x1xf32> to vector<16x1xf32>
      %add3A_357 = vector.broadcast %broadcast_in_dim3A : vector<1x576xf32> to vector<16x576xf32>
      %add3A_358 = vector.broadcast %slice3A_356 : vector<16x1xf32> to vector<16x576xf32>
      %add3A_359 = arith.addf %add3A_357, %add3A_358 : vector<16x576xf32>
      %slice3A_360 = vector.extract_strided_slice %dot_general3A_43 {offsets = [336, 0], sizes = [16, 576], strides = [1, 1]} : vector<2048x576xf32> to vector<16x576xf32>
      %sub3A_361 = arith.subf %add3A_359, %slice3A_360 : vector<16x576xf32>
      %lt3A_362 = arith.cmpf olt, %sub3A_361, %select_n3A_353 : vector<16x576xf32>
      %mul3A_363 = arith.constant 128 : i32
      %mul3A_364 = arith.muli %scan3A_31, %mul3A_363 : i32
      %add3A_365 = arith.constant 21 : i32
      %add3A_366 = arith.addi %mul3A_364, %add3A_365 : i32
      %convert_element_type3A_367 = arith.sitofp %add3A_366 : i32 to f32
      %select_n3A_368 = arith.select %lt3A_362, %sub3A_361, %select_n3A_353 : vector<16x576xi1>, vector<16x576xf32>
      %broadcast_in_dim3A_369 = vector.broadcast %convert_element_type3A_367 : f32 to vector<16x576xf32>
      %select_n3A_370 = arith.select %lt3A_362, %broadcast_in_dim3A_369, %select_n3A_355 : vector<16x576xi1>, vector<16x576xf32>
      %slice3A_371 = vector.extract_strided_slice %broadcast_in_dim3A_42 {offsets = [352, 0], sizes = [16, 1], strides = [1, 1]} : vector<2048x1xf32> to vector<16x1xf32>
      %add3A_372 = vector.broadcast %broadcast_in_dim3A : vector<1x576xf32> to vector<16x576xf32>
      %add3A_373 = vector.broadcast %slice3A_371 : vector<16x1xf32> to vector<16x576xf32>
      %add3A_374 = arith.addf %add3A_372, %add3A_373 : vector<16x576xf32>
      %slice3A_375 = vector.extract_strided_slice %dot_general3A_43 {offsets = [352, 0], sizes = [16, 576], strides = [1, 1]} : vector<2048x576xf32> to vector<16x576xf32>
      %sub3A_376 = arith.subf %add3A_374, %slice3A_375 : vector<16x576xf32>
      %lt3A_377 = arith.cmpf olt, %sub3A_376, %select_n3A_368 : vector<16x576xf32>
      %mul3A_378 = arith.constant 128 : i32
      %mul3A_379 = arith.muli %scan3A_31, %mul3A_378 : i32
      %add3A_380 = arith.constant 22 : i32
      %add3A_381 = arith.addi %mul3A_379, %add3A_380 : i32
      %convert_element_type3A_382 = arith.sitofp %add3A_381 : i32 to f32
      %select_n3A_383 = arith.select %lt3A_377, %sub3A_376, %select_n3A_368 : vector<16x576xi1>, vector<16x576xf32>
      %broadcast_in_dim3A_384 = vector.broadcast %convert_element_type3A_382 : f32 to vector<16x576xf32>
      %select_n3A_385 = arith.select %lt3A_377, %broadcast_in_dim3A_384, %select_n3A_370 : vector<16x576xi1>, vector<16x576xf32>
      %slice3A_386 = vector.extract_strided_slice %broadcast_in_dim3A_42 {offsets = [368, 0], sizes = [16, 1], strides = [1, 1]} : vector<2048x1xf32> to vector<16x1xf32>
      %add3A_387 = vector.broadcast %broadcast_in_dim3A : vector<1x576xf32> to vector<16x576xf32>
      %add3A_388 = vector.broadcast %slice3A_386 : vector<16x1xf32> to vector<16x576xf32>
      %add3A_389 = arith.addf %add3A_387, %add3A_388 : vector<16x576xf32>
      %slice3A_390 = vector.extract_strided_slice %dot_general3A_43 {offsets = [368, 0], sizes = [16, 576], strides = [1, 1]} : vector<2048x576xf32> to vector<16x576xf32>
      %sub3A_391 = arith.subf %add3A_389, %slice3A_390 : vector<16x576xf32>
      %lt3A_392 = arith.cmpf olt, %sub3A_391, %select_n3A_383 : vector<16x576xf32>
      %mul3A_393 = arith.constant 128 : i32
      %mul3A_394 = arith.muli %scan3A_31, %mul3A_393 : i32
      %add3A_395 = arith.constant 23 : i32
      %add3A_396 = arith.addi %mul3A_394, %add3A_395 : i32
      %convert_element_type3A_397 = arith.sitofp %add3A_396 : i32 to f32
      %select_n3A_398 = arith.select %lt3A_392, %sub3A_391, %select_n3A_383 : vector<16x576xi1>, vector<16x576xf32>
      %broadcast_in_dim3A_399 = vector.broadcast %convert_element_type3A_397 : f32 to vector<16x576xf32>
      %select_n3A_400 = arith.select %lt3A_392, %broadcast_in_dim3A_399, %select_n3A_385 : vector<16x576xi1>, vector<16x576xf32>
      %slice3A_401 = vector.extract_strided_slice %broadcast_in_dim3A_42 {offsets = [384, 0], sizes = [16, 1], strides = [1, 1]} : vector<2048x1xf32> to vector<16x1xf32>
      %add3A_402 = vector.broadcast %broadcast_in_dim3A : vector<1x576xf32> to vector<16x576xf32>
      %add3A_403 = vector.broadcast %slice3A_401 : vector<16x1xf32> to vector<16x576xf32>
      %add3A_404 = arith.addf %add3A_402, %add3A_403 : vector<16x576xf32>
      %slice3A_405 = vector.extract_strided_slice %dot_general3A_43 {offsets = [384, 0], sizes = [16, 576], strides = [1, 1]} : vector<2048x576xf32> to vector<16x576xf32>
      %sub3A_406 = arith.subf %add3A_404, %slice3A_405 : vector<16x576xf32>
      %lt3A_407 = arith.cmpf olt, %sub3A_406, %select_n3A_398 : vector<16x576xf32>
      %mul3A_408 = arith.constant 128 : i32
      %mul3A_409 = arith.muli %scan3A_31, %mul3A_408 : i32
      %add3A_410 = arith.constant 24 : i32
      %add3A_411 = arith.addi %mul3A_409, %add3A_410 : i32
      %convert_element_type3A_412 = arith.sitofp %add3A_411 : i32 to f32
      %select_n3A_413 = arith.select %lt3A_407, %sub3A_406, %select_n3A_398 : vector<16x576xi1>, vector<16x576xf32>
      %broadcast_in_dim3A_414 = vector.broadcast %convert_element_type3A_412 : f32 to vector<16x576xf32>
      %select_n3A_415 = arith.select %lt3A_407, %broadcast_in_dim3A_414, %select_n3A_400 : vector<16x576xi1>, vector<16x576xf32>
      %slice3A_416 = vector.extract_strided_slice %broadcast_in_dim3A_42 {offsets = [400, 0], sizes = [16, 1], strides = [1, 1]} : vector<2048x1xf32> to vector<16x1xf32>
      %add3A_417 = vector.broadcast %broadcast_in_dim3A : vector<1x576xf32> to vector<16x576xf32>
      %add3A_418 = vector.broadcast %slice3A_416 : vector<16x1xf32> to vector<16x576xf32>
      %add3A_419 = arith.addf %add3A_417, %add3A_418 : vector<16x576xf32>
      %slice3A_420 = vector.extract_strided_slice %dot_general3A_43 {offsets = [400, 0], sizes = [16, 576], strides = [1, 1]} : vector<2048x576xf32> to vector<16x576xf32>
      %sub3A_421 = arith.subf %add3A_419, %slice3A_420 : vector<16x576xf32>
      %lt3A_422 = arith.cmpf olt, %sub3A_421, %select_n3A_413 : vector<16x576xf32>
      %mul3A_423 = arith.constant 128 : i32
      %mul3A_424 = arith.muli %scan3A_31, %mul3A_423 : i32
      %add3A_425 = arith.constant 25 : i32
      %add3A_426 = arith.addi %mul3A_424, %add3A_425 : i32
      %convert_element_type3A_427 = arith.sitofp %add3A_426 : i32 to f32
      %select_n3A_428 = arith.select %lt3A_422, %sub3A_421, %select_n3A_413 : vector<16x576xi1>, vector<16x576xf32>
      %broadcast_in_dim3A_429 = vector.broadcast %convert_element_type3A_427 : f32 to vector<16x576xf32>
      %select_n3A_430 = arith.select %lt3A_422, %broadcast_in_dim3A_429, %select_n3A_415 : vector<16x576xi1>, vector<16x576xf32>
      %slice3A_431 = vector.extract_strided_slice %broadcast_in_dim3A_42 {offsets = [416, 0], sizes = [16, 1], strides = [1, 1]} : vector<2048x1xf32> to vector<16x1xf32>
      %add3A_432 = vector.broadcast %broadcast_in_dim3A : vector<1x576xf32> to vector<16x576xf32>
      %add3A_433 = vector.broadcast %slice3A_431 : vector<16x1xf32> to vector<16x576xf32>
      %add3A_434 = arith.addf %add3A_432, %add3A_433 : vector<16x576xf32>
      %slice3A_435 = vector.extract_strided_slice %dot_general3A_43 {offsets = [416, 0], sizes = [16, 576], strides = [1, 1]} : vector<2048x576xf32> to vector<16x576xf32>
      %sub3A_436 = arith.subf %add3A_434, %slice3A_435 : vector<16x576xf32>
      %lt3A_437 = arith.cmpf olt, %sub3A_436, %select_n3A_428 : vector<16x576xf32>
      %mul3A_438 = arith.constant 128 : i32
      %mul3A_439 = arith.muli %scan3A_31, %mul3A_438 : i32
      %add3A_440 = arith.constant 26 : i32
      %add3A_441 = arith.addi %mul3A_439, %add3A_440 : i32
      %convert_element_type3A_442 = arith.sitofp %add3A_441 : i32 to f32
      %select_n3A_443 = arith.select %lt3A_437, %sub3A_436, %select_n3A_428 : vector<16x576xi1>, vector<16x576xf32>
      %broadcast_in_dim3A_444 = vector.broadcast %convert_element_type3A_442 : f32 to vector<16x576xf32>
      %select_n3A_445 = arith.select %lt3A_437, %broadcast_in_dim3A_444, %select_n3A_430 : vector<16x576xi1>, vector<16x576xf32>
      %slice3A_446 = vector.extract_strided_slice %broadcast_in_dim3A_42 {offsets = [432, 0], sizes = [16, 1], strides = [1, 1]} : vector<2048x1xf32> to vector<16x1xf32>
      %add3A_447 = vector.broadcast %broadcast_in_dim3A : vector<1x576xf32> to vector<16x576xf32>
      %add3A_448 = vector.broadcast %slice3A_446 : vector<16x1xf32> to vector<16x576xf32>
      %add3A_449 = arith.addf %add3A_447, %add3A_448 : vector<16x576xf32>
      %slice3A_450 = vector.extract_strided_slice %dot_general3A_43 {offsets = [432, 0], sizes = [16, 576], strides = [1, 1]} : vector<2048x576xf32> to vector<16x576xf32>
      %sub3A_451 = arith.subf %add3A_449, %slice3A_450 : vector<16x576xf32>
      %lt3A_452 = arith.cmpf olt, %sub3A_451, %select_n3A_443 : vector<16x576xf32>
      %mul3A_453 = arith.constant 128 : i32
      %mul3A_454 = arith.muli %scan3A_31, %mul3A_453 : i32
      %add3A_455 = arith.constant 27 : i32
      %add3A_456 = arith.addi %mul3A_454, %add3A_455 : i32
      %convert_element_type3A_457 = arith.sitofp %add3A_456 : i32 to f32
      %select_n3A_458 = arith.select %lt3A_452, %sub3A_451, %select_n3A_443 : vector<16x576xi1>, vector<16x576xf32>
      %broadcast_in_dim3A_459 = vector.broadcast %convert_element_type3A_457 : f32 to vector<16x576xf32>
      %select_n3A_460 = arith.select %lt3A_452, %broadcast_in_dim3A_459, %select_n3A_445 : vector<16x576xi1>, vector<16x576xf32>
      %slice3A_461 = vector.extract_strided_slice %broadcast_in_dim3A_42 {offsets = [448, 0], sizes = [16, 1], strides = [1, 1]} : vector<2048x1xf32> to vector<16x1xf32>
      %add3A_462 = vector.broadcast %broadcast_in_dim3A : vector<1x576xf32> to vector<16x576xf32>
      %add3A_463 = vector.broadcast %slice3A_461 : vector<16x1xf32> to vector<16x576xf32>
      %add3A_464 = arith.addf %add3A_462, %add3A_463 : vector<16x576xf32>
      %slice3A_465 = vector.extract_strided_slice %dot_general3A_43 {offsets = [448, 0], sizes = [16, 576], strides = [1, 1]} : vector<2048x576xf32> to vector<16x576xf32>
      %sub3A_466 = arith.subf %add3A_464, %slice3A_465 : vector<16x576xf32>
      %lt3A_467 = arith.cmpf olt, %sub3A_466, %select_n3A_458 : vector<16x576xf32>
      %mul3A_468 = arith.constant 128 : i32
      %mul3A_469 = arith.muli %scan3A_31, %mul3A_468 : i32
      %add3A_470 = arith.constant 28 : i32
      %add3A_471 = arith.addi %mul3A_469, %add3A_470 : i32
      %convert_element_type3A_472 = arith.sitofp %add3A_471 : i32 to f32
      %select_n3A_473 = arith.select %lt3A_467, %sub3A_466, %select_n3A_458 : vector<16x576xi1>, vector<16x576xf32>
      %broadcast_in_dim3A_474 = vector.broadcast %convert_element_type3A_472 : f32 to vector<16x576xf32>
      %select_n3A_475 = arith.select %lt3A_467, %broadcast_in_dim3A_474, %select_n3A_460 : vector<16x576xi1>, vector<16x576xf32>
      %slice3A_476 = vector.extract_strided_slice %broadcast_in_dim3A_42 {offsets = [464, 0], sizes = [16, 1], strides = [1, 1]} : vector<2048x1xf32> to vector<16x1xf32>
      %add3A_477 = vector.broadcast %broadcast_in_dim3A : vector<1x576xf32> to vector<16x576xf32>
      %add3A_478 = vector.broadcast %slice3A_476 : vector<16x1xf32> to vector<16x576xf32>
      %add3A_479 = arith.addf %add3A_477, %add3A_478 : vector<16x576xf32>
      %slice3A_480 = vector.extract_strided_slice %dot_general3A_43 {offsets = [464, 0], sizes = [16, 576], strides = [1, 1]} : vector<2048x576xf32> to vector<16x576xf32>
      %sub3A_481 = arith.subf %add3A_479, %slice3A_480 : vector<16x576xf32>
      %lt3A_482 = arith.cmpf olt, %sub3A_481, %select_n3A_473 : vector<16x576xf32>
      %mul3A_483 = arith.constant 128 : i32
      %mul3A_484 = arith.muli %scan3A_31, %mul3A_483 : i32
      %add3A_485 = arith.constant 29 : i32
      %add3A_486 = arith.addi %mul3A_484, %add3A_485 : i32
      %convert_element_type3A_487 = arith.sitofp %add3A_486 : i32 to f32
      %select_n3A_488 = arith.select %lt3A_482, %sub3A_481, %select_n3A_473 : vector<16x576xi1>, vector<16x576xf32>
      %broadcast_in_dim3A_489 = vector.broadcast %convert_element_type3A_487 : f32 to vector<16x576xf32>
      %select_n3A_490 = arith.select %lt3A_482, %broadcast_in_dim3A_489, %select_n3A_475 : vector<16x576xi1>, vector<16x576xf32>
      %slice3A_491 = vector.extract_strided_slice %broadcast_in_dim3A_42 {offsets = [480, 0], sizes = [16, 1], strides = [1, 1]} : vector<2048x1xf32> to vector<16x1xf32>
      %add3A_492 = vector.broadcast %broadcast_in_dim3A : vector<1x576xf32> to vector<16x576xf32>
      %add3A_493 = vector.broadcast %slice3A_491 : vector<16x1xf32> to vector<16x576xf32>
      %add3A_494 = arith.addf %add3A_492, %add3A_493 : vector<16x576xf32>
      %slice3A_495 = vector.extract_strided_slice %dot_general3A_43 {offsets = [480, 0], sizes = [16, 576], strides = [1, 1]} : vector<2048x576xf32> to vector<16x576xf32>
      %sub3A_496 = arith.subf %add3A_494, %slice3A_495 : vector<16x576xf32>
      %lt3A_497 = arith.cmpf olt, %sub3A_496, %select_n3A_488 : vector<16x576xf32>
      %mul3A_498 = arith.constant 128 : i32
      %mul3A_499 = arith.muli %scan3A_31, %mul3A_498 : i32
      %add3A_500 = arith.constant 30 : i32
      %add3A_501 = arith.addi %mul3A_499, %add3A_500 : i32
      %convert_element_type3A_502 = arith.sitofp %add3A_501 : i32 to f32
      %select_n3A_503 = arith.select %lt3A_497, %sub3A_496, %select_n3A_488 : vector<16x576xi1>, vector<16x576xf32>
      %broadcast_in_dim3A_504 = vector.broadcast %convert_element_type3A_502 : f32 to vector<16x576xf32>
      %select_n3A_505 = arith.select %lt3A_497, %broadcast_in_dim3A_504, %select_n3A_490 : vector<16x576xi1>, vector<16x576xf32>
      %slice3A_506 = vector.extract_strided_slice %broadcast_in_dim3A_42 {offsets = [496, 0], sizes = [16, 1], strides = [1, 1]} : vector<2048x1xf32> to vector<16x1xf32>
      %add3A_507 = vector.broadcast %broadcast_in_dim3A : vector<1x576xf32> to vector<16x576xf32>
      %add3A_508 = vector.broadcast %slice3A_506 : vector<16x1xf32> to vector<16x576xf32>
      %add3A_509 = arith.addf %add3A_507, %add3A_508 : vector<16x576xf32>
      %slice3A_510 = vector.extract_strided_slice %dot_general3A_43 {offsets = [496, 0], sizes = [16, 576], strides = [1, 1]} : vector<2048x576xf32> to vector<16x576xf32>
      %sub3A_511 = arith.subf %add3A_509, %slice3A_510 : vector<16x576xf32>
      %lt3A_512 = arith.cmpf olt, %sub3A_511, %select_n3A_503 : vector<16x576xf32>
      %mul3A_513 = arith.constant 128 : i32
      %mul3A_514 = arith.muli %scan3A_31, %mul3A_513 : i32
      %add3A_515 = arith.constant 31 : i32
      %add3A_516 = arith.addi %mul3A_514, %add3A_515 : i32
      %convert_element_type3A_517 = arith.sitofp %add3A_516 : i32 to f32
      %select_n3A_518 = arith.select %lt3A_512, %sub3A_511, %select_n3A_503 : vector<16x576xi1>, vector<16x576xf32>
      %broadcast_in_dim3A_519 = vector.broadcast %convert_element_type3A_517 : f32 to vector<16x576xf32>
      %select_n3A_520 = arith.select %lt3A_512, %broadcast_in_dim3A_519, %select_n3A_505 : vector<16x576xi1>, vector<16x576xf32>
      %slice3A_521 = vector.extract_strided_slice %broadcast_in_dim3A_42 {offsets = [512, 0], sizes = [16, 1], strides = [1, 1]} : vector<2048x1xf32> to vector<16x1xf32>
      %add3A_522 = vector.broadcast %broadcast_in_dim3A : vector<1x576xf32> to vector<16x576xf32>
      %add3A_523 = vector.broadcast %slice3A_521 : vector<16x1xf32> to vector<16x576xf32>
      %add3A_524 = arith.addf %add3A_522, %add3A_523 : vector<16x576xf32>
      %slice3A_525 = vector.extract_strided_slice %dot_general3A_43 {offsets = [512, 0], sizes = [16, 576], strides = [1, 1]} : vector<2048x576xf32> to vector<16x576xf32>
      %sub3A_526 = arith.subf %add3A_524, %slice3A_525 : vector<16x576xf32>
      %lt3A_527 = arith.cmpf olt, %sub3A_526, %select_n3A_518 : vector<16x576xf32>
      %mul3A_528 = arith.constant 128 : i32
      %mul3A_529 = arith.muli %scan3A_31, %mul3A_528 : i32
      %add3A_530 = arith.constant 32 : i32
      %add3A_531 = arith.addi %mul3A_529, %add3A_530 : i32
      %convert_element_type3A_532 = arith.sitofp %add3A_531 : i32 to f32
      %select_n3A_533 = arith.select %lt3A_527, %sub3A_526, %select_n3A_518 : vector<16x576xi1>, vector<16x576xf32>
      %broadcast_in_dim3A_534 = vector.broadcast %convert_element_type3A_532 : f32 to vector<16x576xf32>
      %select_n3A_535 = arith.select %lt3A_527, %broadcast_in_dim3A_534, %select_n3A_520 : vector<16x576xi1>, vector<16x576xf32>
      %slice3A_536 = vector.extract_strided_slice %broadcast_in_dim3A_42 {offsets = [528, 0], sizes = [16, 1], strides = [1, 1]} : vector<2048x1xf32> to vector<16x1xf32>
      %add3A_537 = vector.broadcast %broadcast_in_dim3A : vector<1x576xf32> to vector<16x576xf32>
      %add3A_538 = vector.broadcast %slice3A_536 : vector<16x1xf32> to vector<16x576xf32>
      %add3A_539 = arith.addf %add3A_537, %add3A_538 : vector<16x576xf32>
      %slice3A_540 = vector.extract_strided_slice %dot_general3A_43 {offsets = [528, 0], sizes = [16, 576], strides = [1, 1]} : vector<2048x576xf32> to vector<16x576xf32>
      %sub3A_541 = arith.subf %add3A_539, %slice3A_540 : vector<16x576xf32>
      %lt3A_542 = arith.cmpf olt, %sub3A_541, %select_n3A_533 : vector<16x576xf32>
      %mul3A_543 = arith.constant 128 : i32
      %mul3A_544 = arith.muli %scan3A_31, %mul3A_543 : i32
      %add3A_545 = arith.constant 33 : i32
      %add3A_546 = arith.addi %mul3A_544, %add3A_545 : i32
      %convert_element_type3A_547 = arith.sitofp %add3A_546 : i32 to f32
      %select_n3A_548 = arith.select %lt3A_542, %sub3A_541, %select_n3A_533 : vector<16x576xi1>, vector<16x576xf32>
      %broadcast_in_dim3A_549 = vector.broadcast %convert_element_type3A_547 : f32 to vector<16x576xf32>
      %select_n3A_550 = arith.select %lt3A_542, %broadcast_in_dim3A_549, %select_n3A_535 : vector<16x576xi1>, vector<16x576xf32>
      %slice3A_551 = vector.extract_strided_slice %broadcast_in_dim3A_42 {offsets = [544, 0], sizes = [16, 1], strides = [1, 1]} : vector<2048x1xf32> to vector<16x1xf32>
      %add3A_552 = vector.broadcast %broadcast_in_dim3A : vector<1x576xf32> to vector<16x576xf32>
      %add3A_553 = vector.broadcast %slice3A_551 : vector<16x1xf32> to vector<16x576xf32>
      %add3A_554 = arith.addf %add3A_552, %add3A_553 : vector<16x576xf32>
      %slice3A_555 = vector.extract_strided_slice %dot_general3A_43 {offsets = [544, 0], sizes = [16, 576], strides = [1, 1]} : vector<2048x576xf32> to vector<16x576xf32>
      %sub3A_556 = arith.subf %add3A_554, %slice3A_555 : vector<16x576xf32>
      %lt3A_557 = arith.cmpf olt, %sub3A_556, %select_n3A_548 : vector<16x576xf32>
      %mul3A_558 = arith.constant 128 : i32
      %mul3A_559 = arith.muli %scan3A_31, %mul3A_558 : i32
      %add3A_560 = arith.constant 34 : i32
      %add3A_561 = arith.addi %mul3A_559, %add3A_560 : i32
      %convert_element_type3A_562 = arith.sitofp %add3A_561 : i32 to f32
      %select_n3A_563 = arith.select %lt3A_557, %sub3A_556, %select_n3A_548 : vector<16x576xi1>, vector<16x576xf32>
      %broadcast_in_dim3A_564 = vector.broadcast %convert_element_type3A_562 : f32 to vector<16x576xf32>
      %select_n3A_565 = arith.select %lt3A_557, %broadcast_in_dim3A_564, %select_n3A_550 : vector<16x576xi1>, vector<16x576xf32>
      %slice3A_566 = vector.extract_strided_slice %broadcast_in_dim3A_42 {offsets = [560, 0], sizes = [16, 1], strides = [1, 1]} : vector<2048x1xf32> to vector<16x1xf32>
      %add3A_567 = vector.broadcast %broadcast_in_dim3A : vector<1x576xf32> to vector<16x576xf32>
      %add3A_568 = vector.broadcast %slice3A_566 : vector<16x1xf32> to vector<16x576xf32>
      %add3A_569 = arith.addf %add3A_567, %add3A_568 : vector<16x576xf32>
      %slice3A_570 = vector.extract_strided_slice %dot_general3A_43 {offsets = [560, 0], sizes = [16, 576], strides = [1, 1]} : vector<2048x576xf32> to vector<16x576xf32>
      %sub3A_571 = arith.subf %add3A_569, %slice3A_570 : vector<16x576xf32>
      %lt3A_572 = arith.cmpf olt, %sub3A_571, %select_n3A_563 : vector<16x576xf32>
      %mul3A_573 = arith.constant 128 : i32
      %mul3A_574 = arith.muli %scan3A_31, %mul3A_573 : i32
      %add3A_575 = arith.constant 35 : i32
      %add3A_576 = arith.addi %mul3A_574, %add3A_575 : i32
      %convert_element_type3A_577 = arith.sitofp %add3A_576 : i32 to f32
      %select_n3A_578 = arith.select %lt3A_572, %sub3A_571, %select_n3A_563 : vector<16x576xi1>, vector<16x576xf32>
      %broadcast_in_dim3A_579 = vector.broadcast %convert_element_type3A_577 : f32 to vector<16x576xf32>
      %select_n3A_580 = arith.select %lt3A_572, %broadcast_in_dim3A_579, %select_n3A_565 : vector<16x576xi1>, vector<16x576xf32>
      %slice3A_581 = vector.extract_strided_slice %broadcast_in_dim3A_42 {offsets = [576, 0], sizes = [16, 1], strides = [1, 1]} : vector<2048x1xf32> to vector<16x1xf32>
      %add3A_582 = vector.broadcast %broadcast_in_dim3A : vector<1x576xf32> to vector<16x576xf32>
      %add3A_583 = vector.broadcast %slice3A_581 : vector<16x1xf32> to vector<16x576xf32>
      %add3A_584 = arith.addf %add3A_582, %add3A_583 : vector<16x576xf32>
      %slice3A_585 = vector.extract_strided_slice %dot_general3A_43 {offsets = [576, 0], sizes = [16, 576], strides = [1, 1]} : vector<2048x576xf32> to vector<16x576xf32>
      %sub3A_586 = arith.subf %add3A_584, %slice3A_585 : vector<16x576xf32>
      %lt3A_587 = arith.cmpf olt, %sub3A_586, %select_n3A_578 : vector<16x576xf32>
      %mul3A_588 = arith.constant 128 : i32
      %mul3A_589 = arith.muli %scan3A_31, %mul3A_588 : i32
      %add3A_590 = arith.constant 36 : i32
      %add3A_591 = arith.addi %mul3A_589, %add3A_590 : i32
      %convert_element_type3A_592 = arith.sitofp %add3A_591 : i32 to f32
      %select_n3A_593 = arith.select %lt3A_587, %sub3A_586, %select_n3A_578 : vector<16x576xi1>, vector<16x576xf32>
      %broadcast_in_dim3A_594 = vector.broadcast %convert_element_type3A_592 : f32 to vector<16x576xf32>
      %select_n3A_595 = arith.select %lt3A_587, %broadcast_in_dim3A_594, %select_n3A_580 : vector<16x576xi1>, vector<16x576xf32>
      %slice3A_596 = vector.extract_strided_slice %broadcast_in_dim3A_42 {offsets = [592, 0], sizes = [16, 1], strides = [1, 1]} : vector<2048x1xf32> to vector<16x1xf32>
      %add3A_597 = vector.broadcast %broadcast_in_dim3A : vector<1x576xf32> to vector<16x576xf32>
      %add3A_598 = vector.broadcast %slice3A_596 : vector<16x1xf32> to vector<16x576xf32>
      %add3A_599 = arith.addf %add3A_597, %add3A_598 : vector<16x576xf32>
      %slice3A_600 = vector.extract_strided_slice %dot_general3A_43 {offsets = [592, 0], sizes = [16, 576], strides = [1, 1]} : vector<2048x576xf32> to vector<16x576xf32>
      %sub3A_601 = arith.subf %add3A_599, %slice3A_600 : vector<16x576xf32>
      %lt3A_602 = arith.cmpf olt, %sub3A_601, %select_n3A_593 : vector<16x576xf32>
      %mul3A_603 = arith.constant 128 : i32
      %mul3A_604 = arith.muli %scan3A_31, %mul3A_603 : i32
      %add3A_605 = arith.constant 37 : i32
      %add3A_606 = arith.addi %mul3A_604, %add3A_605 : i32
      %convert_element_type3A_607 = arith.sitofp %add3A_606 : i32 to f32
      %select_n3A_608 = arith.select %lt3A_602, %sub3A_601, %select_n3A_593 : vector<16x576xi1>, vector<16x576xf32>
      %broadcast_in_dim3A_609 = vector.broadcast %convert_element_type3A_607 : f32 to vector<16x576xf32>
      %select_n3A_610 = arith.select %lt3A_602, %broadcast_in_dim3A_609, %select_n3A_595 : vector<16x576xi1>, vector<16x576xf32>
      %slice3A_611 = vector.extract_strided_slice %broadcast_in_dim3A_42 {offsets = [608, 0], sizes = [16, 1], strides = [1, 1]} : vector<2048x1xf32> to vector<16x1xf32>
      %add3A_612 = vector.broadcast %broadcast_in_dim3A : vector<1x576xf32> to vector<16x576xf32>
      %add3A_613 = vector.broadcast %slice3A_611 : vector<16x1xf32> to vector<16x576xf32>
      %add3A_614 = arith.addf %add3A_612, %add3A_613 : vector<16x576xf32>
      %slice3A_615 = vector.extract_strided_slice %dot_general3A_43 {offsets = [608, 0], sizes = [16, 576], strides = [1, 1]} : vector<2048x576xf32> to vector<16x576xf32>
      %sub3A_616 = arith.subf %add3A_614, %slice3A_615 : vector<16x576xf32>
      %lt3A_617 = arith.cmpf olt, %sub3A_616, %select_n3A_608 : vector<16x576xf32>
      %mul3A_618 = arith.constant 128 : i32
      %mul3A_619 = arith.muli %scan3A_31, %mul3A_618 : i32
      %add3A_620 = arith.constant 38 : i32
      %add3A_621 = arith.addi %mul3A_619, %add3A_620 : i32
      %convert_element_type3A_622 = arith.sitofp %add3A_621 : i32 to f32
      %select_n3A_623 = arith.select %lt3A_617, %sub3A_616, %select_n3A_608 : vector<16x576xi1>, vector<16x576xf32>
      %broadcast_in_dim3A_624 = vector.broadcast %convert_element_type3A_622 : f32 to vector<16x576xf32>
      %select_n3A_625 = arith.select %lt3A_617, %broadcast_in_dim3A_624, %select_n3A_610 : vector<16x576xi1>, vector<16x576xf32>
      %slice3A_626 = vector.extract_strided_slice %broadcast_in_dim3A_42 {offsets = [624, 0], sizes = [16, 1], strides = [1, 1]} : vector<2048x1xf32> to vector<16x1xf32>
      %add3A_627 = vector.broadcast %broadcast_in_dim3A : vector<1x576xf32> to vector<16x576xf32>
      %add3A_628 = vector.broadcast %slice3A_626 : vector<16x1xf32> to vector<16x576xf32>
      %add3A_629 = arith.addf %add3A_627, %add3A_628 : vector<16x576xf32>
      %slice3A_630 = vector.extract_strided_slice %dot_general3A_43 {offsets = [624, 0], sizes = [16, 576], strides = [1, 1]} : vector<2048x576xf32> to vector<16x576xf32>
      %sub3A_631 = arith.subf %add3A_629, %slice3A_630 : vector<16x576xf32>
      %lt3A_632 = arith.cmpf olt, %sub3A_631, %select_n3A_623 : vector<16x576xf32>
      %mul3A_633 = arith.constant 128 : i32
      %mul3A_634 = arith.muli %scan3A_31, %mul3A_633 : i32
      %add3A_635 = arith.constant 39 : i32
      %add3A_636 = arith.addi %mul3A_634, %add3A_635 : i32
      %convert_element_type3A_637 = arith.sitofp %add3A_636 : i32 to f32
      %select_n3A_638 = arith.select %lt3A_632, %sub3A_631, %select_n3A_623 : vector<16x576xi1>, vector<16x576xf32>
      %broadcast_in_dim3A_639 = vector.broadcast %convert_element_type3A_637 : f32 to vector<16x576xf32>
      %select_n3A_640 = arith.select %lt3A_632, %broadcast_in_dim3A_639, %select_n3A_625 : vector<16x576xi1>, vector<16x576xf32>
      %slice3A_641 = vector.extract_strided_slice %broadcast_in_dim3A_42 {offsets = [640, 0], sizes = [16, 1], strides = [1, 1]} : vector<2048x1xf32> to vector<16x1xf32>
      %add3A_642 = vector.broadcast %broadcast_in_dim3A : vector<1x576xf32> to vector<16x576xf32>
      %add3A_643 = vector.broadcast %slice3A_641 : vector<16x1xf32> to vector<16x576xf32>
      %add3A_644 = arith.addf %add3A_642, %add3A_643 : vector<16x576xf32>
      %slice3A_645 = vector.extract_strided_slice %dot_general3A_43 {offsets = [640, 0], sizes = [16, 576], strides = [1, 1]} : vector<2048x576xf32> to vector<16x576xf32>
      %sub3A_646 = arith.subf %add3A_644, %slice3A_645 : vector<16x576xf32>
      %lt3A_647 = arith.cmpf olt, %sub3A_646, %select_n3A_638 : vector<16x576xf32>
      %mul3A_648 = arith.constant 128 : i32
      %mul3A_649 = arith.muli %scan3A_31, %mul3A_648 : i32
      %add3A_650 = arith.constant 40 : i32
      %add3A_651 = arith.addi %mul3A_649, %add3A_650 : i32
      %convert_element_type3A_652 = arith.sitofp %add3A_651 : i32 to f32
      %select_n3A_653 = arith.select %lt3A_647, %sub3A_646, %select_n3A_638 : vector<16x576xi1>, vector<16x576xf32>
      %broadcast_in_dim3A_654 = vector.broadcast %convert_element_type3A_652 : f32 to vector<16x576xf32>
      %select_n3A_655 = arith.select %lt3A_647, %broadcast_in_dim3A_654, %select_n3A_640 : vector<16x576xi1>, vector<16x576xf32>
      %slice3A_656 = vector.extract_strided_slice %broadcast_in_dim3A_42 {offsets = [656, 0], sizes = [16, 1], strides = [1, 1]} : vector<2048x1xf32> to vector<16x1xf32>
      %add3A_657 = vector.broadcast %broadcast_in_dim3A : vector<1x576xf32> to vector<16x576xf32>
      %add3A_658 = vector.broadcast %slice3A_656 : vector<16x1xf32> to vector<16x576xf32>
      %add3A_659 = arith.addf %add3A_657, %add3A_658 : vector<16x576xf32>
      %slice3A_660 = vector.extract_strided_slice %dot_general3A_43 {offsets = [656, 0], sizes = [16, 576], strides = [1, 1]} : vector<2048x576xf32> to vector<16x576xf32>
      %sub3A_661 = arith.subf %add3A_659, %slice3A_660 : vector<16x576xf32>
      %lt3A_662 = arith.cmpf olt, %sub3A_661, %select_n3A_653 : vector<16x576xf32>
      %mul3A_663 = arith.constant 128 : i32
      %mul3A_664 = arith.muli %scan3A_31, %mul3A_663 : i32
      %add3A_665 = arith.constant 41 : i32
      %add3A_666 = arith.addi %mul3A_664, %add3A_665 : i32
      %convert_element_type3A_667 = arith.sitofp %add3A_666 : i32 to f32
      %select_n3A_668 = arith.select %lt3A_662, %sub3A_661, %select_n3A_653 : vector<16x576xi1>, vector<16x576xf32>
      %broadcast_in_dim3A_669 = vector.broadcast %convert_element_type3A_667 : f32 to vector<16x576xf32>
      %select_n3A_670 = arith.select %lt3A_662, %broadcast_in_dim3A_669, %select_n3A_655 : vector<16x576xi1>, vector<16x576xf32>
      %slice3A_671 = vector.extract_strided_slice %broadcast_in_dim3A_42 {offsets = [672, 0], sizes = [16, 1], strides = [1, 1]} : vector<2048x1xf32> to vector<16x1xf32>
      %add3A_672 = vector.broadcast %broadcast_in_dim3A : vector<1x576xf32> to vector<16x576xf32>
      %add3A_673 = vector.broadcast %slice3A_671 : vector<16x1xf32> to vector<16x576xf32>
      %add3A_674 = arith.addf %add3A_672, %add3A_673 : vector<16x576xf32>
      %slice3A_675 = vector.extract_strided_slice %dot_general3A_43 {offsets = [672, 0], sizes = [16, 576], strides = [1, 1]} : vector<2048x576xf32> to vector<16x576xf32>
      %sub3A_676 = arith.subf %add3A_674, %slice3A_675 : vector<16x576xf32>
      %lt3A_677 = arith.cmpf olt, %sub3A_676, %select_n3A_668 : vector<16x576xf32>
      %mul3A_678 = arith.constant 128 : i32
      %mul3A_679 = arith.muli %scan3A_31, %mul3A_678 : i32
      %add3A_680 = arith.constant 42 : i32
      %add3A_681 = arith.addi %mul3A_679, %add3A_680 : i32
      %convert_element_type3A_682 = arith.sitofp %add3A_681 : i32 to f32
      %select_n3A_683 = arith.select %lt3A_677, %sub3A_676, %select_n3A_668 : vector<16x576xi1>, vector<16x576xf32>
      %broadcast_in_dim3A_684 = vector.broadcast %convert_element_type3A_682 : f32 to vector<16x576xf32>
      %select_n3A_685 = arith.select %lt3A_677, %broadcast_in_dim3A_684, %select_n3A_670 : vector<16x576xi1>, vector<16x576xf32>
      %slice3A_686 = vector.extract_strided_slice %broadcast_in_dim3A_42 {offsets = [688, 0], sizes = [16, 1], strides = [1, 1]} : vector<2048x1xf32> to vector<16x1xf32>
      %add3A_687 = vector.broadcast %broadcast_in_dim3A : vector<1x576xf32> to vector<16x576xf32>
      %add3A_688 = vector.broadcast %slice3A_686 : vector<16x1xf32> to vector<16x576xf32>
      %add3A_689 = arith.addf %add3A_687, %add3A_688 : vector<16x576xf32>
      %slice3A_690 = vector.extract_strided_slice %dot_general3A_43 {offsets = [688, 0], sizes = [16, 576], strides = [1, 1]} : vector<2048x576xf32> to vector<16x576xf32>
      %sub3A_691 = arith.subf %add3A_689, %slice3A_690 : vector<16x576xf32>
      %lt3A_692 = arith.cmpf olt, %sub3A_691, %select_n3A_683 : vector<16x576xf32>
      %mul3A_693 = arith.constant 128 : i32
      %mul3A_694 = arith.muli %scan3A_31, %mul3A_693 : i32
      %add3A_695 = arith.constant 43 : i32
      %add3A_696 = arith.addi %mul3A_694, %add3A_695 : i32
      %convert_element_type3A_697 = arith.sitofp %add3A_696 : i32 to f32
      %select_n3A_698 = arith.select %lt3A_692, %sub3A_691, %select_n3A_683 : vector<16x576xi1>, vector<16x576xf32>
      %broadcast_in_dim3A_699 = vector.broadcast %convert_element_type3A_697 : f32 to vector<16x576xf32>
      %select_n3A_700 = arith.select %lt3A_692, %broadcast_in_dim3A_699, %select_n3A_685 : vector<16x576xi1>, vector<16x576xf32>
      %slice3A_701 = vector.extract_strided_slice %broadcast_in_dim3A_42 {offsets = [704, 0], sizes = [16, 1], strides = [1, 1]} : vector<2048x1xf32> to vector<16x1xf32>
      %add3A_702 = vector.broadcast %broadcast_in_dim3A : vector<1x576xf32> to vector<16x576xf32>
      %add3A_703 = vector.broadcast %slice3A_701 : vector<16x1xf32> to vector<16x576xf32>
      %add3A_704 = arith.addf %add3A_702, %add3A_703 : vector<16x576xf32>
      %slice3A_705 = vector.extract_strided_slice %dot_general3A_43 {offsets = [704, 0], sizes = [16, 576], strides = [1, 1]} : vector<2048x576xf32> to vector<16x576xf32>
      %sub3A_706 = arith.subf %add3A_704, %slice3A_705 : vector<16x576xf32>
      %lt3A_707 = arith.cmpf olt, %sub3A_706, %select_n3A_698 : vector<16x576xf32>
      %mul3A_708 = arith.constant 128 : i32
      %mul3A_709 = arith.muli %scan3A_31, %mul3A_708 : i32
      %add3A_710 = arith.constant 44 : i32
      %add3A_711 = arith.addi %mul3A_709, %add3A_710 : i32
      %convert_element_type3A_712 = arith.sitofp %add3A_711 : i32 to f32
      %select_n3A_713 = arith.select %lt3A_707, %sub3A_706, %select_n3A_698 : vector<16x576xi1>, vector<16x576xf32>
      %broadcast_in_dim3A_714 = vector.broadcast %convert_element_type3A_712 : f32 to vector<16x576xf32>
      %select_n3A_715 = arith.select %lt3A_707, %broadcast_in_dim3A_714, %select_n3A_700 : vector<16x576xi1>, vector<16x576xf32>
      %slice3A_716 = vector.extract_strided_slice %broadcast_in_dim3A_42 {offsets = [720, 0], sizes = [16, 1], strides = [1, 1]} : vector<2048x1xf32> to vector<16x1xf32>
      %add3A_717 = vector.broadcast %broadcast_in_dim3A : vector<1x576xf32> to vector<16x576xf32>
      %add3A_718 = vector.broadcast %slice3A_716 : vector<16x1xf32> to vector<16x576xf32>
      %add3A_719 = arith.addf %add3A_717, %add3A_718 : vector<16x576xf32>
      %slice3A_720 = vector.extract_strided_slice %dot_general3A_43 {offsets = [720, 0], sizes = [16, 576], strides = [1, 1]} : vector<2048x576xf32> to vector<16x576xf32>
      %sub3A_721 = arith.subf %add3A_719, %slice3A_720 : vector<16x576xf32>
      %lt3A_722 = arith.cmpf olt, %sub3A_721, %select_n3A_713 : vector<16x576xf32>
      %mul3A_723 = arith.constant 128 : i32
      %mul3A_724 = arith.muli %scan3A_31, %mul3A_723 : i32
      %add3A_725 = arith.constant 45 : i32
      %add3A_726 = arith.addi %mul3A_724, %add3A_725 : i32
      %convert_element_type3A_727 = arith.sitofp %add3A_726 : i32 to f32
      %select_n3A_728 = arith.select %lt3A_722, %sub3A_721, %select_n3A_713 : vector<16x576xi1>, vector<16x576xf32>
      %broadcast_in_dim3A_729 = vector.broadcast %convert_element_type3A_727 : f32 to vector<16x576xf32>
      %select_n3A_730 = arith.select %lt3A_722, %broadcast_in_dim3A_729, %select_n3A_715 : vector<16x576xi1>, vector<16x576xf32>
      %slice3A_731 = vector.extract_strided_slice %broadcast_in_dim3A_42 {offsets = [736, 0], sizes = [16, 1], strides = [1, 1]} : vector<2048x1xf32> to vector<16x1xf32>
      %add3A_732 = vector.broadcast %broadcast_in_dim3A : vector<1x576xf32> to vector<16x576xf32>
      %add3A_733 = vector.broadcast %slice3A_731 : vector<16x1xf32> to vector<16x576xf32>
      %add3A_734 = arith.addf %add3A_732, %add3A_733 : vector<16x576xf32>
      %slice3A_735 = vector.extract_strided_slice %dot_general3A_43 {offsets = [736, 0], sizes = [16, 576], strides = [1, 1]} : vector<2048x576xf32> to vector<16x576xf32>
      %sub3A_736 = arith.subf %add3A_734, %slice3A_735 : vector<16x576xf32>
      %lt3A_737 = arith.cmpf olt, %sub3A_736, %select_n3A_728 : vector<16x576xf32>
      %mul3A_738 = arith.constant 128 : i32
      %mul3A_739 = arith.muli %scan3A_31, %mul3A_738 : i32
      %add3A_740 = arith.constant 46 : i32
      %add3A_741 = arith.addi %mul3A_739, %add3A_740 : i32
      %convert_element_type3A_742 = arith.sitofp %add3A_741 : i32 to f32
      %select_n3A_743 = arith.select %lt3A_737, %sub3A_736, %select_n3A_728 : vector<16x576xi1>, vector<16x576xf32>
      %broadcast_in_dim3A_744 = vector.broadcast %convert_element_type3A_742 : f32 to vector<16x576xf32>
      %select_n3A_745 = arith.select %lt3A_737, %broadcast_in_dim3A_744, %select_n3A_730 : vector<16x576xi1>, vector<16x576xf32>
      %slice3A_746 = vector.extract_strided_slice %broadcast_in_dim3A_42 {offsets = [752, 0], sizes = [16, 1], strides = [1, 1]} : vector<2048x1xf32> to vector<16x1xf32>
      %add3A_747 = vector.broadcast %broadcast_in_dim3A : vector<1x576xf32> to vector<16x576xf32>
      %add3A_748 = vector.broadcast %slice3A_746 : vector<16x1xf32> to vector<16x576xf32>
      %add3A_749 = arith.addf %add3A_747, %add3A_748 : vector<16x576xf32>
      %slice3A_750 = vector.extract_strided_slice %dot_general3A_43 {offsets = [752, 0], sizes = [16, 576], strides = [1, 1]} : vector<2048x576xf32> to vector<16x576xf32>
      %sub3A_751 = arith.subf %add3A_749, %slice3A_750 : vector<16x576xf32>
      %lt3A_752 = arith.cmpf olt, %sub3A_751, %select_n3A_743 : vector<16x576xf32>
      %mul3A_753 = arith.constant 128 : i32
      %mul3A_754 = arith.muli %scan3A_31, %mul3A_753 : i32
      %add3A_755 = arith.constant 47 : i32
      %add3A_756 = arith.addi %mul3A_754, %add3A_755 : i32
      %convert_element_type3A_757 = arith.sitofp %add3A_756 : i32 to f32
      %select_n3A_758 = arith.select %lt3A_752, %sub3A_751, %select_n3A_743 : vector<16x576xi1>, vector<16x576xf32>
      %broadcast_in_dim3A_759 = vector.broadcast %convert_element_type3A_757 : f32 to vector<16x576xf32>
      %select_n3A_760 = arith.select %lt3A_752, %broadcast_in_dim3A_759, %select_n3A_745 : vector<16x576xi1>, vector<16x576xf32>
      %slice3A_761 = vector.extract_strided_slice %broadcast_in_dim3A_42 {offsets = [768, 0], sizes = [16, 1], strides = [1, 1]} : vector<2048x1xf32> to vector<16x1xf32>
      %add3A_762 = vector.broadcast %broadcast_in_dim3A : vector<1x576xf32> to vector<16x576xf32>
      %add3A_763 = vector.broadcast %slice3A_761 : vector<16x1xf32> to vector<16x576xf32>
      %add3A_764 = arith.addf %add3A_762, %add3A_763 : vector<16x576xf32>
      %slice3A_765 = vector.extract_strided_slice %dot_general3A_43 {offsets = [768, 0], sizes = [16, 576], strides = [1, 1]} : vector<2048x576xf32> to vector<16x576xf32>
      %sub3A_766 = arith.subf %add3A_764, %slice3A_765 : vector<16x576xf32>
      %lt3A_767 = arith.cmpf olt, %sub3A_766, %select_n3A_758 : vector<16x576xf32>
      %mul3A_768 = arith.constant 128 : i32
      %mul3A_769 = arith.muli %scan3A_31, %mul3A_768 : i32
      %add3A_770 = arith.constant 48 : i32
      %add3A_771 = arith.addi %mul3A_769, %add3A_770 : i32
      %convert_element_type3A_772 = arith.sitofp %add3A_771 : i32 to f32
      %select_n3A_773 = arith.select %lt3A_767, %sub3A_766, %select_n3A_758 : vector<16x576xi1>, vector<16x576xf32>
      %broadcast_in_dim3A_774 = vector.broadcast %convert_element_type3A_772 : f32 to vector<16x576xf32>
      %select_n3A_775 = arith.select %lt3A_767, %broadcast_in_dim3A_774, %select_n3A_760 : vector<16x576xi1>, vector<16x576xf32>
      %slice3A_776 = vector.extract_strided_slice %broadcast_in_dim3A_42 {offsets = [784, 0], sizes = [16, 1], strides = [1, 1]} : vector<2048x1xf32> to vector<16x1xf32>
      %add3A_777 = vector.broadcast %broadcast_in_dim3A : vector<1x576xf32> to vector<16x576xf32>
      %add3A_778 = vector.broadcast %slice3A_776 : vector<16x1xf32> to vector<16x576xf32>
      %add3A_779 = arith.addf %add3A_777, %add3A_778 : vector<16x576xf32>
      %slice3A_780 = vector.extract_strided_slice %dot_general3A_43 {offsets = [784, 0], sizes = [16, 576], strides = [1, 1]} : vector<2048x576xf32> to vector<16x576xf32>
      %sub3A_781 = arith.subf %add3A_779, %slice3A_780 : vector<16x576xf32>
      %lt3A_782 = arith.cmpf olt, %sub3A_781, %select_n3A_773 : vector<16x576xf32>
      %mul3A_783 = arith.constant 128 : i32
      %mul3A_784 = arith.muli %scan3A_31, %mul3A_783 : i32
      %add3A_785 = arith.constant 49 : i32
      %add3A_786 = arith.addi %mul3A_784, %add3A_785 : i32
      %convert_element_type3A_787 = arith.sitofp %add3A_786 : i32 to f32
      %select_n3A_788 = arith.select %lt3A_782, %sub3A_781, %select_n3A_773 : vector<16x576xi1>, vector<16x576xf32>
      %broadcast_in_dim3A_789 = vector.broadcast %convert_element_type3A_787 : f32 to vector<16x576xf32>
      %select_n3A_790 = arith.select %lt3A_782, %broadcast_in_dim3A_789, %select_n3A_775 : vector<16x576xi1>, vector<16x576xf32>
      %slice3A_791 = vector.extract_strided_slice %broadcast_in_dim3A_42 {offsets = [800, 0], sizes = [16, 1], strides = [1, 1]} : vector<2048x1xf32> to vector<16x1xf32>
      %add3A_792 = vector.broadcast %broadcast_in_dim3A : vector<1x576xf32> to vector<16x576xf32>
      %add3A_793 = vector.broadcast %slice3A_791 : vector<16x1xf32> to vector<16x576xf32>
      %add3A_794 = arith.addf %add3A_792, %add3A_793 : vector<16x576xf32>
      %slice3A_795 = vector.extract_strided_slice %dot_general3A_43 {offsets = [800, 0], sizes = [16, 576], strides = [1, 1]} : vector<2048x576xf32> to vector<16x576xf32>
      %sub3A_796 = arith.subf %add3A_794, %slice3A_795 : vector<16x576xf32>
      %lt3A_797 = arith.cmpf olt, %sub3A_796, %select_n3A_788 : vector<16x576xf32>
      %mul3A_798 = arith.constant 128 : i32
      %mul3A_799 = arith.muli %scan3A_31, %mul3A_798 : i32
      %add3A_800 = arith.constant 50 : i32
      %add3A_801 = arith.addi %mul3A_799, %add3A_800 : i32
      %convert_element_type3A_802 = arith.sitofp %add3A_801 : i32 to f32
      %select_n3A_803 = arith.select %lt3A_797, %sub3A_796, %select_n3A_788 : vector<16x576xi1>, vector<16x576xf32>
      %broadcast_in_dim3A_804 = vector.broadcast %convert_element_type3A_802 : f32 to vector<16x576xf32>
      %select_n3A_805 = arith.select %lt3A_797, %broadcast_in_dim3A_804, %select_n3A_790 : vector<16x576xi1>, vector<16x576xf32>
      %slice3A_806 = vector.extract_strided_slice %broadcast_in_dim3A_42 {offsets = [816, 0], sizes = [16, 1], strides = [1, 1]} : vector<2048x1xf32> to vector<16x1xf32>
      %add3A_807 = vector.broadcast %broadcast_in_dim3A : vector<1x576xf32> to vector<16x576xf32>
      %add3A_808 = vector.broadcast %slice3A_806 : vector<16x1xf32> to vector<16x576xf32>
      %add3A_809 = arith.addf %add3A_807, %add3A_808 : vector<16x576xf32>
      %slice3A_810 = vector.extract_strided_slice %dot_general3A_43 {offsets = [816, 0], sizes = [16, 576], strides = [1, 1]} : vector<2048x576xf32> to vector<16x576xf32>
      %sub3A_811 = arith.subf %add3A_809, %slice3A_810 : vector<16x576xf32>
      %lt3A_812 = arith.cmpf olt, %sub3A_811, %select_n3A_803 : vector<16x576xf32>
      %mul3A_813 = arith.constant 128 : i32
      %mul3A_814 = arith.muli %scan3A_31, %mul3A_813 : i32
      %add3A_815 = arith.constant 51 : i32
      %add3A_816 = arith.addi %mul3A_814, %add3A_815 : i32
      %convert_element_type3A_817 = arith.sitofp %add3A_816 : i32 to f32
      %select_n3A_818 = arith.select %lt3A_812, %sub3A_811, %select_n3A_803 : vector<16x576xi1>, vector<16x576xf32>
      %broadcast_in_dim3A_819 = vector.broadcast %convert_element_type3A_817 : f32 to vector<16x576xf32>
      %select_n3A_820 = arith.select %lt3A_812, %broadcast_in_dim3A_819, %select_n3A_805 : vector<16x576xi1>, vector<16x576xf32>
      %slice3A_821 = vector.extract_strided_slice %broadcast_in_dim3A_42 {offsets = [832, 0], sizes = [16, 1], strides = [1, 1]} : vector<2048x1xf32> to vector<16x1xf32>
      %add3A_822 = vector.broadcast %broadcast_in_dim3A : vector<1x576xf32> to vector<16x576xf32>
      %add3A_823 = vector.broadcast %slice3A_821 : vector<16x1xf32> to vector<16x576xf32>
      %add3A_824 = arith.addf %add3A_822, %add3A_823 : vector<16x576xf32>
      %slice3A_825 = vector.extract_strided_slice %dot_general3A_43 {offsets = [832, 0], sizes = [16, 576], strides = [1, 1]} : vector<2048x576xf32> to vector<16x576xf32>
      %sub3A_826 = arith.subf %add3A_824, %slice3A_825 : vector<16x576xf32>
      %lt3A_827 = arith.cmpf olt, %sub3A_826, %select_n3A_818 : vector<16x576xf32>
      %mul3A_828 = arith.constant 128 : i32
      %mul3A_829 = arith.muli %scan3A_31, %mul3A_828 : i32
      %add3A_830 = arith.constant 52 : i32
      %add3A_831 = arith.addi %mul3A_829, %add3A_830 : i32
      %convert_element_type3A_832 = arith.sitofp %add3A_831 : i32 to f32
      %select_n3A_833 = arith.select %lt3A_827, %sub3A_826, %select_n3A_818 : vector<16x576xi1>, vector<16x576xf32>
      %broadcast_in_dim3A_834 = vector.broadcast %convert_element_type3A_832 : f32 to vector<16x576xf32>
      %select_n3A_835 = arith.select %lt3A_827, %broadcast_in_dim3A_834, %select_n3A_820 : vector<16x576xi1>, vector<16x576xf32>
      %slice3A_836 = vector.extract_strided_slice %broadcast_in_dim3A_42 {offsets = [848, 0], sizes = [16, 1], strides = [1, 1]} : vector<2048x1xf32> to vector<16x1xf32>
      %add3A_837 = vector.broadcast %broadcast_in_dim3A : vector<1x576xf32> to vector<16x576xf32>
      %add3A_838 = vector.broadcast %slice3A_836 : vector<16x1xf32> to vector<16x576xf32>
      %add3A_839 = arith.addf %add3A_837, %add3A_838 : vector<16x576xf32>
      %slice3A_840 = vector.extract_strided_slice %dot_general3A_43 {offsets = [848, 0], sizes = [16, 576], strides = [1, 1]} : vector<2048x576xf32> to vector<16x576xf32>
      %sub3A_841 = arith.subf %add3A_839, %slice3A_840 : vector<16x576xf32>
      %lt3A_842 = arith.cmpf olt, %sub3A_841, %select_n3A_833 : vector<16x576xf32>
      %mul3A_843 = arith.constant 128 : i32
      %mul3A_844 = arith.muli %scan3A_31, %mul3A_843 : i32
      %add3A_845 = arith.constant 53 : i32
      %add3A_846 = arith.addi %mul3A_844, %add3A_845 : i32
      %convert_element_type3A_847 = arith.sitofp %add3A_846 : i32 to f32
      %select_n3A_848 = arith.select %lt3A_842, %sub3A_841, %select_n3A_833 : vector<16x576xi1>, vector<16x576xf32>
      %broadcast_in_dim3A_849 = vector.broadcast %convert_element_type3A_847 : f32 to vector<16x576xf32>
      %select_n3A_850 = arith.select %lt3A_842, %broadcast_in_dim3A_849, %select_n3A_835 : vector<16x576xi1>, vector<16x576xf32>
      %slice3A_851 = vector.extract_strided_slice %broadcast_in_dim3A_42 {offsets = [864, 0], sizes = [16, 1], strides = [1, 1]} : vector<2048x1xf32> to vector<16x1xf32>
      %add3A_852 = vector.broadcast %broadcast_in_dim3A : vector<1x576xf32> to vector<16x576xf32>
      %add3A_853 = vector.broadcast %slice3A_851 : vector<16x1xf32> to vector<16x576xf32>
      %add3A_854 = arith.addf %add3A_852, %add3A_853 : vector<16x576xf32>
      %slice3A_855 = vector.extract_strided_slice %dot_general3A_43 {offsets = [864, 0], sizes = [16, 576], strides = [1, 1]} : vector<2048x576xf32> to vector<16x576xf32>
      %sub3A_856 = arith.subf %add3A_854, %slice3A_855 : vector<16x576xf32>
      %lt3A_857 = arith.cmpf olt, %sub3A_856, %select_n3A_848 : vector<16x576xf32>
      %mul3A_858 = arith.constant 128 : i32
      %mul3A_859 = arith.muli %scan3A_31, %mul3A_858 : i32
      %add3A_860 = arith.constant 54 : i32
      %add3A_861 = arith.addi %mul3A_859, %add3A_860 : i32
      %convert_element_type3A_862 = arith.sitofp %add3A_861 : i32 to f32
      %select_n3A_863 = arith.select %lt3A_857, %sub3A_856, %select_n3A_848 : vector<16x576xi1>, vector<16x576xf32>
      %broadcast_in_dim3A_864 = vector.broadcast %convert_element_type3A_862 : f32 to vector<16x576xf32>
      %select_n3A_865 = arith.select %lt3A_857, %broadcast_in_dim3A_864, %select_n3A_850 : vector<16x576xi1>, vector<16x576xf32>
      %slice3A_866 = vector.extract_strided_slice %broadcast_in_dim3A_42 {offsets = [880, 0], sizes = [16, 1], strides = [1, 1]} : vector<2048x1xf32> to vector<16x1xf32>
      %add3A_867 = vector.broadcast %broadcast_in_dim3A : vector<1x576xf32> to vector<16x576xf32>
      %add3A_868 = vector.broadcast %slice3A_866 : vector<16x1xf32> to vector<16x576xf32>
      %add3A_869 = arith.addf %add3A_867, %add3A_868 : vector<16x576xf32>
      %slice3A_870 = vector.extract_strided_slice %dot_general3A_43 {offsets = [880, 0], sizes = [16, 576], strides = [1, 1]} : vector<2048x576xf32> to vector<16x576xf32>
      %sub3A_871 = arith.subf %add3A_869, %slice3A_870 : vector<16x576xf32>
      %lt3A_872 = arith.cmpf olt, %sub3A_871, %select_n3A_863 : vector<16x576xf32>
      %mul3A_873 = arith.constant 128 : i32
      %mul3A_874 = arith.muli %scan3A_31, %mul3A_873 : i32
      %add3A_875 = arith.constant 55 : i32
      %add3A_876 = arith.addi %mul3A_874, %add3A_875 : i32
      %convert_element_type3A_877 = arith.sitofp %add3A_876 : i32 to f32
      %select_n3A_878 = arith.select %lt3A_872, %sub3A_871, %select_n3A_863 : vector<16x576xi1>, vector<16x576xf32>
      %broadcast_in_dim3A_879 = vector.broadcast %convert_element_type3A_877 : f32 to vector<16x576xf32>
      %select_n3A_880 = arith.select %lt3A_872, %broadcast_in_dim3A_879, %select_n3A_865 : vector<16x576xi1>, vector<16x576xf32>
      %slice3A_881 = vector.extract_strided_slice %broadcast_in_dim3A_42 {offsets = [896, 0], sizes = [16, 1], strides = [1, 1]} : vector<2048x1xf32> to vector<16x1xf32>
      %add3A_882 = vector.broadcast %broadcast_in_dim3A : vector<1x576xf32> to vector<16x576xf32>
      %add3A_883 = vector.broadcast %slice3A_881 : vector<16x1xf32> to vector<16x576xf32>
      %add3A_884 = arith.addf %add3A_882, %add3A_883 : vector<16x576xf32>
      %slice3A_885 = vector.extract_strided_slice %dot_general3A_43 {offsets = [896, 0], sizes = [16, 576], strides = [1, 1]} : vector<2048x576xf32> to vector<16x576xf32>
      %sub3A_886 = arith.subf %add3A_884, %slice3A_885 : vector<16x576xf32>
      %lt3A_887 = arith.cmpf olt, %sub3A_886, %select_n3A_878 : vector<16x576xf32>
      %mul3A_888 = arith.constant 128 : i32
      %mul3A_889 = arith.muli %scan3A_31, %mul3A_888 : i32
      %add3A_890 = arith.constant 56 : i32
      %add3A_891 = arith.addi %mul3A_889, %add3A_890 : i32
      %convert_element_type3A_892 = arith.sitofp %add3A_891 : i32 to f32
      %select_n3A_893 = arith.select %lt3A_887, %sub3A_886, %select_n3A_878 : vector<16x576xi1>, vector<16x576xf32>
      %broadcast_in_dim3A_894 = vector.broadcast %convert_element_type3A_892 : f32 to vector<16x576xf32>
      %select_n3A_895 = arith.select %lt3A_887, %broadcast_in_dim3A_894, %select_n3A_880 : vector<16x576xi1>, vector<16x576xf32>
      %slice3A_896 = vector.extract_strided_slice %broadcast_in_dim3A_42 {offsets = [912, 0], sizes = [16, 1], strides = [1, 1]} : vector<2048x1xf32> to vector<16x1xf32>
      %add3A_897 = vector.broadcast %broadcast_in_dim3A : vector<1x576xf32> to vector<16x576xf32>
      %add3A_898 = vector.broadcast %slice3A_896 : vector<16x1xf32> to vector<16x576xf32>
      %add3A_899 = arith.addf %add3A_897, %add3A_898 : vector<16x576xf32>
      %slice3A_900 = vector.extract_strided_slice %dot_general3A_43 {offsets = [912, 0], sizes = [16, 576], strides = [1, 1]} : vector<2048x576xf32> to vector<16x576xf32>
      %sub3A_901 = arith.subf %add3A_899, %slice3A_900 : vector<16x576xf32>
      %lt3A_902 = arith.cmpf olt, %sub3A_901, %select_n3A_893 : vector<16x576xf32>
      %mul3A_903 = arith.constant 128 : i32
      %mul3A_904 = arith.muli %scan3A_31, %mul3A_903 : i32
      %add3A_905 = arith.constant 57 : i32
      %add3A_906 = arith.addi %mul3A_904, %add3A_905 : i32
      %convert_element_type3A_907 = arith.sitofp %add3A_906 : i32 to f32
      %select_n3A_908 = arith.select %lt3A_902, %sub3A_901, %select_n3A_893 : vector<16x576xi1>, vector<16x576xf32>
      %broadcast_in_dim3A_909 = vector.broadcast %convert_element_type3A_907 : f32 to vector<16x576xf32>
      %select_n3A_910 = arith.select %lt3A_902, %broadcast_in_dim3A_909, %select_n3A_895 : vector<16x576xi1>, vector<16x576xf32>
      %slice3A_911 = vector.extract_strided_slice %broadcast_in_dim3A_42 {offsets = [928, 0], sizes = [16, 1], strides = [1, 1]} : vector<2048x1xf32> to vector<16x1xf32>
      %add3A_912 = vector.broadcast %broadcast_in_dim3A : vector<1x576xf32> to vector<16x576xf32>
      %add3A_913 = vector.broadcast %slice3A_911 : vector<16x1xf32> to vector<16x576xf32>
      %add3A_914 = arith.addf %add3A_912, %add3A_913 : vector<16x576xf32>
      %slice3A_915 = vector.extract_strided_slice %dot_general3A_43 {offsets = [928, 0], sizes = [16, 576], strides = [1, 1]} : vector<2048x576xf32> to vector<16x576xf32>
      %sub3A_916 = arith.subf %add3A_914, %slice3A_915 : vector<16x576xf32>
      %lt3A_917 = arith.cmpf olt, %sub3A_916, %select_n3A_908 : vector<16x576xf32>
      %mul3A_918 = arith.constant 128 : i32
      %mul3A_919 = arith.muli %scan3A_31, %mul3A_918 : i32
      %add3A_920 = arith.constant 58 : i32
      %add3A_921 = arith.addi %mul3A_919, %add3A_920 : i32
      %convert_element_type3A_922 = arith.sitofp %add3A_921 : i32 to f32
      %select_n3A_923 = arith.select %lt3A_917, %sub3A_916, %select_n3A_908 : vector<16x576xi1>, vector<16x576xf32>
      %broadcast_in_dim3A_924 = vector.broadcast %convert_element_type3A_922 : f32 to vector<16x576xf32>
      %select_n3A_925 = arith.select %lt3A_917, %broadcast_in_dim3A_924, %select_n3A_910 : vector<16x576xi1>, vector<16x576xf32>
      %slice3A_926 = vector.extract_strided_slice %broadcast_in_dim3A_42 {offsets = [944, 0], sizes = [16, 1], strides = [1, 1]} : vector<2048x1xf32> to vector<16x1xf32>
      %add3A_927 = vector.broadcast %broadcast_in_dim3A : vector<1x576xf32> to vector<16x576xf32>
      %add3A_928 = vector.broadcast %slice3A_926 : vector<16x1xf32> to vector<16x576xf32>
      %add3A_929 = arith.addf %add3A_927, %add3A_928 : vector<16x576xf32>
      %slice3A_930 = vector.extract_strided_slice %dot_general3A_43 {offsets = [944, 0], sizes = [16, 576], strides = [1, 1]} : vector<2048x576xf32> to vector<16x576xf32>
      %sub3A_931 = arith.subf %add3A_929, %slice3A_930 : vector<16x576xf32>
      %lt3A_932 = arith.cmpf olt, %sub3A_931, %select_n3A_923 : vector<16x576xf32>
      %mul3A_933 = arith.constant 128 : i32
      %mul3A_934 = arith.muli %scan3A_31, %mul3A_933 : i32
      %add3A_935 = arith.constant 59 : i32
      %add3A_936 = arith.addi %mul3A_934, %add3A_935 : i32
      %convert_element_type3A_937 = arith.sitofp %add3A_936 : i32 to f32
      %select_n3A_938 = arith.select %lt3A_932, %sub3A_931, %select_n3A_923 : vector<16x576xi1>, vector<16x576xf32>
      %broadcast_in_dim3A_939 = vector.broadcast %convert_element_type3A_937 : f32 to vector<16x576xf32>
      %select_n3A_940 = arith.select %lt3A_932, %broadcast_in_dim3A_939, %select_n3A_925 : vector<16x576xi1>, vector<16x576xf32>
      %slice3A_941 = vector.extract_strided_slice %broadcast_in_dim3A_42 {offsets = [960, 0], sizes = [16, 1], strides = [1, 1]} : vector<2048x1xf32> to vector<16x1xf32>
      %add3A_942 = vector.broadcast %broadcast_in_dim3A : vector<1x576xf32> to vector<16x576xf32>
      %add3A_943 = vector.broadcast %slice3A_941 : vector<16x1xf32> to vector<16x576xf32>
      %add3A_944 = arith.addf %add3A_942, %add3A_943 : vector<16x576xf32>
      %slice3A_945 = vector.extract_strided_slice %dot_general3A_43 {offsets = [960, 0], sizes = [16, 576], strides = [1, 1]} : vector<2048x576xf32> to vector<16x576xf32>
      %sub3A_946 = arith.subf %add3A_944, %slice3A_945 : vector<16x576xf32>
      %lt3A_947 = arith.cmpf olt, %sub3A_946, %select_n3A_938 : vector<16x576xf32>
      %mul3A_948 = arith.constant 128 : i32
      %mul3A_949 = arith.muli %scan3A_31, %mul3A_948 : i32
      %add3A_950 = arith.constant 60 : i32
      %add3A_951 = arith.addi %mul3A_949, %add3A_950 : i32
      %convert_element_type3A_952 = arith.sitofp %add3A_951 : i32 to f32
      %select_n3A_953 = arith.select %lt3A_947, %sub3A_946, %select_n3A_938 : vector<16x576xi1>, vector<16x576xf32>
      %broadcast_in_dim3A_954 = vector.broadcast %convert_element_type3A_952 : f32 to vector<16x576xf32>
      %select_n3A_955 = arith.select %lt3A_947, %broadcast_in_dim3A_954, %select_n3A_940 : vector<16x576xi1>, vector<16x576xf32>
      %slice3A_956 = vector.extract_strided_slice %broadcast_in_dim3A_42 {offsets = [976, 0], sizes = [16, 1], strides = [1, 1]} : vector<2048x1xf32> to vector<16x1xf32>
      %add3A_957 = vector.broadcast %broadcast_in_dim3A : vector<1x576xf32> to vector<16x576xf32>
      %add3A_958 = vector.broadcast %slice3A_956 : vector<16x1xf32> to vector<16x576xf32>
      %add3A_959 = arith.addf %add3A_957, %add3A_958 : vector<16x576xf32>
      %slice3A_960 = vector.extract_strided_slice %dot_general3A_43 {offsets = [976, 0], sizes = [16, 576], strides = [1, 1]} : vector<2048x576xf32> to vector<16x576xf32>
      %sub3A_961 = arith.subf %add3A_959, %slice3A_960 : vector<16x576xf32>
      %lt3A_962 = arith.cmpf olt, %sub3A_961, %select_n3A_953 : vector<16x576xf32>
      %mul3A_963 = arith.constant 128 : i32
      %mul3A_964 = arith.muli %scan3A_31, %mul3A_963 : i32
      %add3A_965 = arith.constant 61 : i32
      %add3A_966 = arith.addi %mul3A_964, %add3A_965 : i32
      %convert_element_type3A_967 = arith.sitofp %add3A_966 : i32 to f32
      %select_n3A_968 = arith.select %lt3A_962, %sub3A_961, %select_n3A_953 : vector<16x576xi1>, vector<16x576xf32>
      %broadcast_in_dim3A_969 = vector.broadcast %convert_element_type3A_967 : f32 to vector<16x576xf32>
      %select_n3A_970 = arith.select %lt3A_962, %broadcast_in_dim3A_969, %select_n3A_955 : vector<16x576xi1>, vector<16x576xf32>
      %slice3A_971 = vector.extract_strided_slice %broadcast_in_dim3A_42 {offsets = [992, 0], sizes = [16, 1], strides = [1, 1]} : vector<2048x1xf32> to vector<16x1xf32>
      %add3A_972 = vector.broadcast %broadcast_in_dim3A : vector<1x576xf32> to vector<16x576xf32>
      %add3A_973 = vector.broadcast %slice3A_971 : vector<16x1xf32> to vector<16x576xf32>
      %add3A_974 = arith.addf %add3A_972, %add3A_973 : vector<16x576xf32>
      %slice3A_975 = vector.extract_strided_slice %dot_general3A_43 {offsets = [992, 0], sizes = [16, 576], strides = [1, 1]} : vector<2048x576xf32> to vector<16x576xf32>
      %sub3A_976 = arith.subf %add3A_974, %slice3A_975 : vector<16x576xf32>
      %lt3A_977 = arith.cmpf olt, %sub3A_976, %select_n3A_968 : vector<16x576xf32>
      %mul3A_978 = arith.constant 128 : i32
      %mul3A_979 = arith.muli %scan3A_31, %mul3A_978 : i32
      %add3A_980 = arith.constant 62 : i32
      %add3A_981 = arith.addi %mul3A_979, %add3A_980 : i32
      %convert_element_type3A_982 = arith.sitofp %add3A_981 : i32 to f32
      %select_n3A_983 = arith.select %lt3A_977, %sub3A_976, %select_n3A_968 : vector<16x576xi1>, vector<16x576xf32>
      %broadcast_in_dim3A_984 = vector.broadcast %convert_element_type3A_982 : f32 to vector<16x576xf32>
      %select_n3A_985 = arith.select %lt3A_977, %broadcast_in_dim3A_984, %select_n3A_970 : vector<16x576xi1>, vector<16x576xf32>
      %slice3A_986 = vector.extract_strided_slice %broadcast_in_dim3A_42 {offsets = [1008, 0], sizes = [16, 1], strides = [1, 1]} : vector<2048x1xf32> to vector<16x1xf32>
      %add3A_987 = vector.broadcast %broadcast_in_dim3A : vector<1x576xf32> to vector<16x576xf32>
      %add3A_988 = vector.broadcast %slice3A_986 : vector<16x1xf32> to vector<16x576xf32>
      %add3A_989 = arith.addf %add3A_987, %add3A_988 : vector<16x576xf32>
      %slice3A_990 = vector.extract_strided_slice %dot_general3A_43 {offsets = [1008, 0], sizes = [16, 576], strides = [1, 1]} : vector<2048x576xf32> to vector<16x576xf32>
      %sub3A_991 = arith.subf %add3A_989, %slice3A_990 : vector<16x576xf32>
      %lt3A_992 = arith.cmpf olt, %sub3A_991, %select_n3A_983 : vector<16x576xf32>
      %mul3A_993 = arith.constant 128 : i32
      %mul3A_994 = arith.muli %scan3A_31, %mul3A_993 : i32
      %add3A_995 = arith.constant 63 : i32
      %add3A_996 = arith.addi %mul3A_994, %add3A_995 : i32
      %convert_element_type3A_997 = arith.sitofp %add3A_996 : i32 to f32
      %select_n3A_998 = arith.select %lt3A_992, %sub3A_991, %select_n3A_983 : vector<16x576xi1>, vector<16x576xf32>
      %broadcast_in_dim3A_999 = vector.broadcast %convert_element_type3A_997 : f32 to vector<16x576xf32>
      %select_n3A_1000 = arith.select %lt3A_992, %broadcast_in_dim3A_999, %select_n3A_985 : vector<16x576xi1>, vector<16x576xf32>
      %slice3A_1001 = vector.extract_strided_slice %broadcast_in_dim3A_42 {offsets = [1024, 0], sizes = [16, 1], strides = [1, 1]} : vector<2048x1xf32> to vector<16x1xf32>
      %add3A_1002 = vector.broadcast %broadcast_in_dim3A : vector<1x576xf32> to vector<16x576xf32>
      %add3A_1003 = vector.broadcast %slice3A_1001 : vector<16x1xf32> to vector<16x576xf32>
      %add3A_1004 = arith.addf %add3A_1002, %add3A_1003 : vector<16x576xf32>
      %slice3A_1005 = vector.extract_strided_slice %dot_general3A_43 {offsets = [1024, 0], sizes = [16, 576], strides = [1, 1]} : vector<2048x576xf32> to vector<16x576xf32>
      %sub3A_1006 = arith.subf %add3A_1004, %slice3A_1005 : vector<16x576xf32>
      %lt3A_1007 = arith.cmpf olt, %sub3A_1006, %select_n3A_998 : vector<16x576xf32>
      %mul3A_1008 = arith.constant 128 : i32
      %mul3A_1009 = arith.muli %scan3A_31, %mul3A_1008 : i32
      %add3A_1010 = arith.constant 64 : i32
      %add3A_1011 = arith.addi %mul3A_1009, %add3A_1010 : i32
      %convert_element_type3A_1012 = arith.sitofp %add3A_1011 : i32 to f32
      %select_n3A_1013 = arith.select %lt3A_1007, %sub3A_1006, %select_n3A_998 : vector<16x576xi1>, vector<16x576xf32>
      %broadcast_in_dim3A_1014 = vector.broadcast %convert_element_type3A_1012 : f32 to vector<16x576xf32>
      %select_n3A_1015 = arith.select %lt3A_1007, %broadcast_in_dim3A_1014, %select_n3A_1000 : vector<16x576xi1>, vector<16x576xf32>
      %slice3A_1016 = vector.extract_strided_slice %broadcast_in_dim3A_42 {offsets = [1040, 0], sizes = [16, 1], strides = [1, 1]} : vector<2048x1xf32> to vector<16x1xf32>
      %add3A_1017 = vector.broadcast %broadcast_in_dim3A : vector<1x576xf32> to vector<16x576xf32>
      %add3A_1018 = vector.broadcast %slice3A_1016 : vector<16x1xf32> to vector<16x576xf32>
      %add3A_1019 = arith.addf %add3A_1017, %add3A_1018 : vector<16x576xf32>
      %slice3A_1020 = vector.extract_strided_slice %dot_general3A_43 {offsets = [1040, 0], sizes = [16, 576], strides = [1, 1]} : vector<2048x576xf32> to vector<16x576xf32>
      %sub3A_1021 = arith.subf %add3A_1019, %slice3A_1020 : vector<16x576xf32>
      %lt3A_1022 = arith.cmpf olt, %sub3A_1021, %select_n3A_1013 : vector<16x576xf32>
      %mul3A_1023 = arith.constant 128 : i32
      %mul3A_1024 = arith.muli %scan3A_31, %mul3A_1023 : i32
      %add3A_1025 = arith.constant 65 : i32
      %add3A_1026 = arith.addi %mul3A_1024, %add3A_1025 : i32
      %convert_element_type3A_1027 = arith.sitofp %add3A_1026 : i32 to f32
      %select_n3A_1028 = arith.select %lt3A_1022, %sub3A_1021, %select_n3A_1013 : vector<16x576xi1>, vector<16x576xf32>
      %broadcast_in_dim3A_1029 = vector.broadcast %convert_element_type3A_1027 : f32 to vector<16x576xf32>
      %select_n3A_1030 = arith.select %lt3A_1022, %broadcast_in_dim3A_1029, %select_n3A_1015 : vector<16x576xi1>, vector<16x576xf32>
      %slice3A_1031 = vector.extract_strided_slice %broadcast_in_dim3A_42 {offsets = [1056, 0], sizes = [16, 1], strides = [1, 1]} : vector<2048x1xf32> to vector<16x1xf32>
      %add3A_1032 = vector.broadcast %broadcast_in_dim3A : vector<1x576xf32> to vector<16x576xf32>
      %add3A_1033 = vector.broadcast %slice3A_1031 : vector<16x1xf32> to vector<16x576xf32>
      %add3A_1034 = arith.addf %add3A_1032, %add3A_1033 : vector<16x576xf32>
      %slice3A_1035 = vector.extract_strided_slice %dot_general3A_43 {offsets = [1056, 0], sizes = [16, 576], strides = [1, 1]} : vector<2048x576xf32> to vector<16x576xf32>
      %sub3A_1036 = arith.subf %add3A_1034, %slice3A_1035 : vector<16x576xf32>
      %lt3A_1037 = arith.cmpf olt, %sub3A_1036, %select_n3A_1028 : vector<16x576xf32>
      %mul3A_1038 = arith.constant 128 : i32
      %mul3A_1039 = arith.muli %scan3A_31, %mul3A_1038 : i32
      %add3A_1040 = arith.constant 66 : i32
      %add3A_1041 = arith.addi %mul3A_1039, %add3A_1040 : i32
      %convert_element_type3A_1042 = arith.sitofp %add3A_1041 : i32 to f32
      %select_n3A_1043 = arith.select %lt3A_1037, %sub3A_1036, %select_n3A_1028 : vector<16x576xi1>, vector<16x576xf32>
      %broadcast_in_dim3A_1044 = vector.broadcast %convert_element_type3A_1042 : f32 to vector<16x576xf32>
      %select_n3A_1045 = arith.select %lt3A_1037, %broadcast_in_dim3A_1044, %select_n3A_1030 : vector<16x576xi1>, vector<16x576xf32>
      %slice3A_1046 = vector.extract_strided_slice %broadcast_in_dim3A_42 {offsets = [1072, 0], sizes = [16, 1], strides = [1, 1]} : vector<2048x1xf32> to vector<16x1xf32>
      %add3A_1047 = vector.broadcast %broadcast_in_dim3A : vector<1x576xf32> to vector<16x576xf32>
      %add3A_1048 = vector.broadcast %slice3A_1046 : vector<16x1xf32> to vector<16x576xf32>
      %add3A_1049 = arith.addf %add3A_1047, %add3A_1048 : vector<16x576xf32>
      %slice3A_1050 = vector.extract_strided_slice %dot_general3A_43 {offsets = [1072, 0], sizes = [16, 576], strides = [1, 1]} : vector<2048x576xf32> to vector<16x576xf32>
      %sub3A_1051 = arith.subf %add3A_1049, %slice3A_1050 : vector<16x576xf32>
      %lt3A_1052 = arith.cmpf olt, %sub3A_1051, %select_n3A_1043 : vector<16x576xf32>
      %mul3A_1053 = arith.constant 128 : i32
      %mul3A_1054 = arith.muli %scan3A_31, %mul3A_1053 : i32
      %add3A_1055 = arith.constant 67 : i32
      %add3A_1056 = arith.addi %mul3A_1054, %add3A_1055 : i32
      %convert_element_type3A_1057 = arith.sitofp %add3A_1056 : i32 to f32
      %select_n3A_1058 = arith.select %lt3A_1052, %sub3A_1051, %select_n3A_1043 : vector<16x576xi1>, vector<16x576xf32>
      %broadcast_in_dim3A_1059 = vector.broadcast %convert_element_type3A_1057 : f32 to vector<16x576xf32>
      %select_n3A_1060 = arith.select %lt3A_1052, %broadcast_in_dim3A_1059, %select_n3A_1045 : vector<16x576xi1>, vector<16x576xf32>
      %slice3A_1061 = vector.extract_strided_slice %broadcast_in_dim3A_42 {offsets = [1088, 0], sizes = [16, 1], strides = [1, 1]} : vector<2048x1xf32> to vector<16x1xf32>
      %add3A_1062 = vector.broadcast %broadcast_in_dim3A : vector<1x576xf32> to vector<16x576xf32>
      %add3A_1063 = vector.broadcast %slice3A_1061 : vector<16x1xf32> to vector<16x576xf32>
      %add3A_1064 = arith.addf %add3A_1062, %add3A_1063 : vector<16x576xf32>
      %slice3A_1065 = vector.extract_strided_slice %dot_general3A_43 {offsets = [1088, 0], sizes = [16, 576], strides = [1, 1]} : vector<2048x576xf32> to vector<16x576xf32>
      %sub3A_1066 = arith.subf %add3A_1064, %slice3A_1065 : vector<16x576xf32>
      %lt3A_1067 = arith.cmpf olt, %sub3A_1066, %select_n3A_1058 : vector<16x576xf32>
      %mul3A_1068 = arith.constant 128 : i32
      %mul3A_1069 = arith.muli %scan3A_31, %mul3A_1068 : i32
      %add3A_1070 = arith.constant 68 : i32
      %add3A_1071 = arith.addi %mul3A_1069, %add3A_1070 : i32
      %convert_element_type3A_1072 = arith.sitofp %add3A_1071 : i32 to f32
      %select_n3A_1073 = arith.select %lt3A_1067, %sub3A_1066, %select_n3A_1058 : vector<16x576xi1>, vector<16x576xf32>
      %broadcast_in_dim3A_1074 = vector.broadcast %convert_element_type3A_1072 : f32 to vector<16x576xf32>
      %select_n3A_1075 = arith.select %lt3A_1067, %broadcast_in_dim3A_1074, %select_n3A_1060 : vector<16x576xi1>, vector<16x576xf32>
      %slice3A_1076 = vector.extract_strided_slice %broadcast_in_dim3A_42 {offsets = [1104, 0], sizes = [16, 1], strides = [1, 1]} : vector<2048x1xf32> to vector<16x1xf32>
      %add3A_1077 = vector.broadcast %broadcast_in_dim3A : vector<1x576xf32> to vector<16x576xf32>
      %add3A_1078 = vector.broadcast %slice3A_1076 : vector<16x1xf32> to vector<16x576xf32>
      %add3A_1079 = arith.addf %add3A_1077, %add3A_1078 : vector<16x576xf32>
      %slice3A_1080 = vector.extract_strided_slice %dot_general3A_43 {offsets = [1104, 0], sizes = [16, 576], strides = [1, 1]} : vector<2048x576xf32> to vector<16x576xf32>
      %sub3A_1081 = arith.subf %add3A_1079, %slice3A_1080 : vector<16x576xf32>
      %lt3A_1082 = arith.cmpf olt, %sub3A_1081, %select_n3A_1073 : vector<16x576xf32>
      %mul3A_1083 = arith.constant 128 : i32
      %mul3A_1084 = arith.muli %scan3A_31, %mul3A_1083 : i32
      %add3A_1085 = arith.constant 69 : i32
      %add3A_1086 = arith.addi %mul3A_1084, %add3A_1085 : i32
      %convert_element_type3A_1087 = arith.sitofp %add3A_1086 : i32 to f32
      %select_n3A_1088 = arith.select %lt3A_1082, %sub3A_1081, %select_n3A_1073 : vector<16x576xi1>, vector<16x576xf32>
      %broadcast_in_dim3A_1089 = vector.broadcast %convert_element_type3A_1087 : f32 to vector<16x576xf32>
      %select_n3A_1090 = arith.select %lt3A_1082, %broadcast_in_dim3A_1089, %select_n3A_1075 : vector<16x576xi1>, vector<16x576xf32>
      %slice3A_1091 = vector.extract_strided_slice %broadcast_in_dim3A_42 {offsets = [1120, 0], sizes = [16, 1], strides = [1, 1]} : vector<2048x1xf32> to vector<16x1xf32>
      %add3A_1092 = vector.broadcast %broadcast_in_dim3A : vector<1x576xf32> to vector<16x576xf32>
      %add3A_1093 = vector.broadcast %slice3A_1091 : vector<16x1xf32> to vector<16x576xf32>
      %add3A_1094 = arith.addf %add3A_1092, %add3A_1093 : vector<16x576xf32>
      %slice3A_1095 = vector.extract_strided_slice %dot_general3A_43 {offsets = [1120, 0], sizes = [16, 576], strides = [1, 1]} : vector<2048x576xf32> to vector<16x576xf32>
      %sub3A_1096 = arith.subf %add3A_1094, %slice3A_1095 : vector<16x576xf32>
      %lt3A_1097 = arith.cmpf olt, %sub3A_1096, %select_n3A_1088 : vector<16x576xf32>
      %mul3A_1098 = arith.constant 128 : i32
      %mul3A_1099 = arith.muli %scan3A_31, %mul3A_1098 : i32
      %add3A_1100 = arith.constant 70 : i32
      %add3A_1101 = arith.addi %mul3A_1099, %add3A_1100 : i32
      %convert_element_type3A_1102 = arith.sitofp %add3A_1101 : i32 to f32
      %select_n3A_1103 = arith.select %lt3A_1097, %sub3A_1096, %select_n3A_1088 : vector<16x576xi1>, vector<16x576xf32>
      %broadcast_in_dim3A_1104 = vector.broadcast %convert_element_type3A_1102 : f32 to vector<16x576xf32>
      %select_n3A_1105 = arith.select %lt3A_1097, %broadcast_in_dim3A_1104, %select_n3A_1090 : vector<16x576xi1>, vector<16x576xf32>
      %slice3A_1106 = vector.extract_strided_slice %broadcast_in_dim3A_42 {offsets = [1136, 0], sizes = [16, 1], strides = [1, 1]} : vector<2048x1xf32> to vector<16x1xf32>
      %add3A_1107 = vector.broadcast %broadcast_in_dim3A : vector<1x576xf32> to vector<16x576xf32>
      %add3A_1108 = vector.broadcast %slice3A_1106 : vector<16x1xf32> to vector<16x576xf32>
      %add3A_1109 = arith.addf %add3A_1107, %add3A_1108 : vector<16x576xf32>
      %slice3A_1110 = vector.extract_strided_slice %dot_general3A_43 {offsets = [1136, 0], sizes = [16, 576], strides = [1, 1]} : vector<2048x576xf32> to vector<16x576xf32>
      %sub3A_1111 = arith.subf %add3A_1109, %slice3A_1110 : vector<16x576xf32>
      %lt3A_1112 = arith.cmpf olt, %sub3A_1111, %select_n3A_1103 : vector<16x576xf32>
      %mul3A_1113 = arith.constant 128 : i32
      %mul3A_1114 = arith.muli %scan3A_31, %mul3A_1113 : i32
      %add3A_1115 = arith.constant 71 : i32
      %add3A_1116 = arith.addi %mul3A_1114, %add3A_1115 : i32
      %convert_element_type3A_1117 = arith.sitofp %add3A_1116 : i32 to f32
      %select_n3A_1118 = arith.select %lt3A_1112, %sub3A_1111, %select_n3A_1103 : vector<16x576xi1>, vector<16x576xf32>
      %broadcast_in_dim3A_1119 = vector.broadcast %convert_element_type3A_1117 : f32 to vector<16x576xf32>
      %select_n3A_1120 = arith.select %lt3A_1112, %broadcast_in_dim3A_1119, %select_n3A_1105 : vector<16x576xi1>, vector<16x576xf32>
      %slice3A_1121 = vector.extract_strided_slice %broadcast_in_dim3A_42 {offsets = [1152, 0], sizes = [16, 1], strides = [1, 1]} : vector<2048x1xf32> to vector<16x1xf32>
      %add3A_1122 = vector.broadcast %broadcast_in_dim3A : vector<1x576xf32> to vector<16x576xf32>
      %add3A_1123 = vector.broadcast %slice3A_1121 : vector<16x1xf32> to vector<16x576xf32>
      %add3A_1124 = arith.addf %add3A_1122, %add3A_1123 : vector<16x576xf32>
      %slice3A_1125 = vector.extract_strided_slice %dot_general3A_43 {offsets = [1152, 0], sizes = [16, 576], strides = [1, 1]} : vector<2048x576xf32> to vector<16x576xf32>
      %sub3A_1126 = arith.subf %add3A_1124, %slice3A_1125 : vector<16x576xf32>
      %lt3A_1127 = arith.cmpf olt, %sub3A_1126, %select_n3A_1118 : vector<16x576xf32>
      %mul3A_1128 = arith.constant 128 : i32
      %mul3A_1129 = arith.muli %scan3A_31, %mul3A_1128 : i32
      %add3A_1130 = arith.constant 72 : i32
      %add3A_1131 = arith.addi %mul3A_1129, %add3A_1130 : i32
      %convert_element_type3A_1132 = arith.sitofp %add3A_1131 : i32 to f32
      %select_n3A_1133 = arith.select %lt3A_1127, %sub3A_1126, %select_n3A_1118 : vector<16x576xi1>, vector<16x576xf32>
      %broadcast_in_dim3A_1134 = vector.broadcast %convert_element_type3A_1132 : f32 to vector<16x576xf32>
      %select_n3A_1135 = arith.select %lt3A_1127, %broadcast_in_dim3A_1134, %select_n3A_1120 : vector<16x576xi1>, vector<16x576xf32>
      %slice3A_1136 = vector.extract_strided_slice %broadcast_in_dim3A_42 {offsets = [1168, 0], sizes = [16, 1], strides = [1, 1]} : vector<2048x1xf32> to vector<16x1xf32>
      %add3A_1137 = vector.broadcast %broadcast_in_dim3A : vector<1x576xf32> to vector<16x576xf32>
      %add3A_1138 = vector.broadcast %slice3A_1136 : vector<16x1xf32> to vector<16x576xf32>
      %add3A_1139 = arith.addf %add3A_1137, %add3A_1138 : vector<16x576xf32>
      %slice3A_1140 = vector.extract_strided_slice %dot_general3A_43 {offsets = [1168, 0], sizes = [16, 576], strides = [1, 1]} : vector<2048x576xf32> to vector<16x576xf32>
      %sub3A_1141 = arith.subf %add3A_1139, %slice3A_1140 : vector<16x576xf32>
      %lt3A_1142 = arith.cmpf olt, %sub3A_1141, %select_n3A_1133 : vector<16x576xf32>
      %mul3A_1143 = arith.constant 128 : i32
      %mul3A_1144 = arith.muli %scan3A_31, %mul3A_1143 : i32
      %add3A_1145 = arith.constant 73 : i32
      %add3A_1146 = arith.addi %mul3A_1144, %add3A_1145 : i32
      %convert_element_type3A_1147 = arith.sitofp %add3A_1146 : i32 to f32
      %select_n3A_1148 = arith.select %lt3A_1142, %sub3A_1141, %select_n3A_1133 : vector<16x576xi1>, vector<16x576xf32>
      %broadcast_in_dim3A_1149 = vector.broadcast %convert_element_type3A_1147 : f32 to vector<16x576xf32>
      %select_n3A_1150 = arith.select %lt3A_1142, %broadcast_in_dim3A_1149, %select_n3A_1135 : vector<16x576xi1>, vector<16x576xf32>
      %slice3A_1151 = vector.extract_strided_slice %broadcast_in_dim3A_42 {offsets = [1184, 0], sizes = [16, 1], strides = [1, 1]} : vector<2048x1xf32> to vector<16x1xf32>
      %add3A_1152 = vector.broadcast %broadcast_in_dim3A : vector<1x576xf32> to vector<16x576xf32>
      %add3A_1153 = vector.broadcast %slice3A_1151 : vector<16x1xf32> to vector<16x576xf32>
      %add3A_1154 = arith.addf %add3A_1152, %add3A_1153 : vector<16x576xf32>
      %slice3A_1155 = vector.extract_strided_slice %dot_general3A_43 {offsets = [1184, 0], sizes = [16, 576], strides = [1, 1]} : vector<2048x576xf32> to vector<16x576xf32>
      %sub3A_1156 = arith.subf %add3A_1154, %slice3A_1155 : vector<16x576xf32>
      %lt3A_1157 = arith.cmpf olt, %sub3A_1156, %select_n3A_1148 : vector<16x576xf32>
      %mul3A_1158 = arith.constant 128 : i32
      %mul3A_1159 = arith.muli %scan3A_31, %mul3A_1158 : i32
      %add3A_1160 = arith.constant 74 : i32
      %add3A_1161 = arith.addi %mul3A_1159, %add3A_1160 : i32
      %convert_element_type3A_1162 = arith.sitofp %add3A_1161 : i32 to f32
      %select_n3A_1163 = arith.select %lt3A_1157, %sub3A_1156, %select_n3A_1148 : vector<16x576xi1>, vector<16x576xf32>
      %broadcast_in_dim3A_1164 = vector.broadcast %convert_element_type3A_1162 : f32 to vector<16x576xf32>
      %select_n3A_1165 = arith.select %lt3A_1157, %broadcast_in_dim3A_1164, %select_n3A_1150 : vector<16x576xi1>, vector<16x576xf32>
      %slice3A_1166 = vector.extract_strided_slice %broadcast_in_dim3A_42 {offsets = [1200, 0], sizes = [16, 1], strides = [1, 1]} : vector<2048x1xf32> to vector<16x1xf32>
      %add3A_1167 = vector.broadcast %broadcast_in_dim3A : vector<1x576xf32> to vector<16x576xf32>
      %add3A_1168 = vector.broadcast %slice3A_1166 : vector<16x1xf32> to vector<16x576xf32>
      %add3A_1169 = arith.addf %add3A_1167, %add3A_1168 : vector<16x576xf32>
      %slice3A_1170 = vector.extract_strided_slice %dot_general3A_43 {offsets = [1200, 0], sizes = [16, 576], strides = [1, 1]} : vector<2048x576xf32> to vector<16x576xf32>
      %sub3A_1171 = arith.subf %add3A_1169, %slice3A_1170 : vector<16x576xf32>
      %lt3A_1172 = arith.cmpf olt, %sub3A_1171, %select_n3A_1163 : vector<16x576xf32>
      %mul3A_1173 = arith.constant 128 : i32
      %mul3A_1174 = arith.muli %scan3A_31, %mul3A_1173 : i32
      %add3A_1175 = arith.constant 75 : i32
      %add3A_1176 = arith.addi %mul3A_1174, %add3A_1175 : i32
      %convert_element_type3A_1177 = arith.sitofp %add3A_1176 : i32 to f32
      %select_n3A_1178 = arith.select %lt3A_1172, %sub3A_1171, %select_n3A_1163 : vector<16x576xi1>, vector<16x576xf32>
      %broadcast_in_dim3A_1179 = vector.broadcast %convert_element_type3A_1177 : f32 to vector<16x576xf32>
      %select_n3A_1180 = arith.select %lt3A_1172, %broadcast_in_dim3A_1179, %select_n3A_1165 : vector<16x576xi1>, vector<16x576xf32>
      %slice3A_1181 = vector.extract_strided_slice %broadcast_in_dim3A_42 {offsets = [1216, 0], sizes = [16, 1], strides = [1, 1]} : vector<2048x1xf32> to vector<16x1xf32>
      %add3A_1182 = vector.broadcast %broadcast_in_dim3A : vector<1x576xf32> to vector<16x576xf32>
      %add3A_1183 = vector.broadcast %slice3A_1181 : vector<16x1xf32> to vector<16x576xf32>
      %add3A_1184 = arith.addf %add3A_1182, %add3A_1183 : vector<16x576xf32>
      %slice3A_1185 = vector.extract_strided_slice %dot_general3A_43 {offsets = [1216, 0], sizes = [16, 576], strides = [1, 1]} : vector<2048x576xf32> to vector<16x576xf32>
      %sub3A_1186 = arith.subf %add3A_1184, %slice3A_1185 : vector<16x576xf32>
      %lt3A_1187 = arith.cmpf olt, %sub3A_1186, %select_n3A_1178 : vector<16x576xf32>
      %mul3A_1188 = arith.constant 128 : i32
      %mul3A_1189 = arith.muli %scan3A_31, %mul3A_1188 : i32
      %add3A_1190 = arith.constant 76 : i32
      %add3A_1191 = arith.addi %mul3A_1189, %add3A_1190 : i32
      %convert_element_type3A_1192 = arith.sitofp %add3A_1191 : i32 to f32
      %select_n3A_1193 = arith.select %lt3A_1187, %sub3A_1186, %select_n3A_1178 : vector<16x576xi1>, vector<16x576xf32>
      %broadcast_in_dim3A_1194 = vector.broadcast %convert_element_type3A_1192 : f32 to vector<16x576xf32>
      %select_n3A_1195 = arith.select %lt3A_1187, %broadcast_in_dim3A_1194, %select_n3A_1180 : vector<16x576xi1>, vector<16x576xf32>
      %slice3A_1196 = vector.extract_strided_slice %broadcast_in_dim3A_42 {offsets = [1232, 0], sizes = [16, 1], strides = [1, 1]} : vector<2048x1xf32> to vector<16x1xf32>
      %add3A_1197 = vector.broadcast %broadcast_in_dim3A : vector<1x576xf32> to vector<16x576xf32>
      %add3A_1198 = vector.broadcast %slice3A_1196 : vector<16x1xf32> to vector<16x576xf32>
      %add3A_1199 = arith.addf %add3A_1197, %add3A_1198 : vector<16x576xf32>
      %slice3A_1200 = vector.extract_strided_slice %dot_general3A_43 {offsets = [1232, 0], sizes = [16, 576], strides = [1, 1]} : vector<2048x576xf32> to vector<16x576xf32>
      %sub3A_1201 = arith.subf %add3A_1199, %slice3A_1200 : vector<16x576xf32>
      %lt3A_1202 = arith.cmpf olt, %sub3A_1201, %select_n3A_1193 : vector<16x576xf32>
      %mul3A_1203 = arith.constant 128 : i32
      %mul3A_1204 = arith.muli %scan3A_31, %mul3A_1203 : i32
      %add3A_1205 = arith.constant 77 : i32
      %add3A_1206 = arith.addi %mul3A_1204, %add3A_1205 : i32
      %convert_element_type3A_1207 = arith.sitofp %add3A_1206 : i32 to f32
      %select_n3A_1208 = arith.select %lt3A_1202, %sub3A_1201, %select_n3A_1193 : vector<16x576xi1>, vector<16x576xf32>
      %broadcast_in_dim3A_1209 = vector.broadcast %convert_element_type3A_1207 : f32 to vector<16x576xf32>
      %select_n3A_1210 = arith.select %lt3A_1202, %broadcast_in_dim3A_1209, %select_n3A_1195 : vector<16x576xi1>, vector<16x576xf32>
      %slice3A_1211 = vector.extract_strided_slice %broadcast_in_dim3A_42 {offsets = [1248, 0], sizes = [16, 1], strides = [1, 1]} : vector<2048x1xf32> to vector<16x1xf32>
      %add3A_1212 = vector.broadcast %broadcast_in_dim3A : vector<1x576xf32> to vector<16x576xf32>
      %add3A_1213 = vector.broadcast %slice3A_1211 : vector<16x1xf32> to vector<16x576xf32>
      %add3A_1214 = arith.addf %add3A_1212, %add3A_1213 : vector<16x576xf32>
      %slice3A_1215 = vector.extract_strided_slice %dot_general3A_43 {offsets = [1248, 0], sizes = [16, 576], strides = [1, 1]} : vector<2048x576xf32> to vector<16x576xf32>
      %sub3A_1216 = arith.subf %add3A_1214, %slice3A_1215 : vector<16x576xf32>
      %lt3A_1217 = arith.cmpf olt, %sub3A_1216, %select_n3A_1208 : vector<16x576xf32>
      %mul3A_1218 = arith.constant 128 : i32
      %mul3A_1219 = arith.muli %scan3A_31, %mul3A_1218 : i32
      %add3A_1220 = arith.constant 78 : i32
      %add3A_1221 = arith.addi %mul3A_1219, %add3A_1220 : i32
      %convert_element_type3A_1222 = arith.sitofp %add3A_1221 : i32 to f32
      %select_n3A_1223 = arith.select %lt3A_1217, %sub3A_1216, %select_n3A_1208 : vector<16x576xi1>, vector<16x576xf32>
      %broadcast_in_dim3A_1224 = vector.broadcast %convert_element_type3A_1222 : f32 to vector<16x576xf32>
      %select_n3A_1225 = arith.select %lt3A_1217, %broadcast_in_dim3A_1224, %select_n3A_1210 : vector<16x576xi1>, vector<16x576xf32>
      %slice3A_1226 = vector.extract_strided_slice %broadcast_in_dim3A_42 {offsets = [1264, 0], sizes = [16, 1], strides = [1, 1]} : vector<2048x1xf32> to vector<16x1xf32>
      %add3A_1227 = vector.broadcast %broadcast_in_dim3A : vector<1x576xf32> to vector<16x576xf32>
      %add3A_1228 = vector.broadcast %slice3A_1226 : vector<16x1xf32> to vector<16x576xf32>
      %add3A_1229 = arith.addf %add3A_1227, %add3A_1228 : vector<16x576xf32>
      %slice3A_1230 = vector.extract_strided_slice %dot_general3A_43 {offsets = [1264, 0], sizes = [16, 576], strides = [1, 1]} : vector<2048x576xf32> to vector<16x576xf32>
      %sub3A_1231 = arith.subf %add3A_1229, %slice3A_1230 : vector<16x576xf32>
      %lt3A_1232 = arith.cmpf olt, %sub3A_1231, %select_n3A_1223 : vector<16x576xf32>
      %mul3A_1233 = arith.constant 128 : i32
      %mul3A_1234 = arith.muli %scan3A_31, %mul3A_1233 : i32
      %add3A_1235 = arith.constant 79 : i32
      %add3A_1236 = arith.addi %mul3A_1234, %add3A_1235 : i32
      %convert_element_type3A_1237 = arith.sitofp %add3A_1236 : i32 to f32
      %select_n3A_1238 = arith.select %lt3A_1232, %sub3A_1231, %select_n3A_1223 : vector<16x576xi1>, vector<16x576xf32>
      %broadcast_in_dim3A_1239 = vector.broadcast %convert_element_type3A_1237 : f32 to vector<16x576xf32>
      %select_n3A_1240 = arith.select %lt3A_1232, %broadcast_in_dim3A_1239, %select_n3A_1225 : vector<16x576xi1>, vector<16x576xf32>
      %slice3A_1241 = vector.extract_strided_slice %broadcast_in_dim3A_42 {offsets = [1280, 0], sizes = [16, 1], strides = [1, 1]} : vector<2048x1xf32> to vector<16x1xf32>
      %add3A_1242 = vector.broadcast %broadcast_in_dim3A : vector<1x576xf32> to vector<16x576xf32>
      %add3A_1243 = vector.broadcast %slice3A_1241 : vector<16x1xf32> to vector<16x576xf32>
      %add3A_1244 = arith.addf %add3A_1242, %add3A_1243 : vector<16x576xf32>
      %slice3A_1245 = vector.extract_strided_slice %dot_general3A_43 {offsets = [1280, 0], sizes = [16, 576], strides = [1, 1]} : vector<2048x576xf32> to vector<16x576xf32>
      %sub3A_1246 = arith.subf %add3A_1244, %slice3A_1245 : vector<16x576xf32>
      %lt3A_1247 = arith.cmpf olt, %sub3A_1246, %select_n3A_1238 : vector<16x576xf32>
      %mul3A_1248 = arith.constant 128 : i32
      %mul3A_1249 = arith.muli %scan3A_31, %mul3A_1248 : i32
      %add3A_1250 = arith.constant 80 : i32
      %add3A_1251 = arith.addi %mul3A_1249, %add3A_1250 : i32
      %convert_element_type3A_1252 = arith.sitofp %add3A_1251 : i32 to f32
      %select_n3A_1253 = arith.select %lt3A_1247, %sub3A_1246, %select_n3A_1238 : vector<16x576xi1>, vector<16x576xf32>
      %broadcast_in_dim3A_1254 = vector.broadcast %convert_element_type3A_1252 : f32 to vector<16x576xf32>
      %select_n3A_1255 = arith.select %lt3A_1247, %broadcast_in_dim3A_1254, %select_n3A_1240 : vector<16x576xi1>, vector<16x576xf32>
      %slice3A_1256 = vector.extract_strided_slice %broadcast_in_dim3A_42 {offsets = [1296, 0], sizes = [16, 1], strides = [1, 1]} : vector<2048x1xf32> to vector<16x1xf32>
      %add3A_1257 = vector.broadcast %broadcast_in_dim3A : vector<1x576xf32> to vector<16x576xf32>
      %add3A_1258 = vector.broadcast %slice3A_1256 : vector<16x1xf32> to vector<16x576xf32>
      %add3A_1259 = arith.addf %add3A_1257, %add3A_1258 : vector<16x576xf32>
      %slice3A_1260 = vector.extract_strided_slice %dot_general3A_43 {offsets = [1296, 0], sizes = [16, 576], strides = [1, 1]} : vector<2048x576xf32> to vector<16x576xf32>
      %sub3A_1261 = arith.subf %add3A_1259, %slice3A_1260 : vector<16x576xf32>
      %lt3A_1262 = arith.cmpf olt, %sub3A_1261, %select_n3A_1253 : vector<16x576xf32>
      %mul3A_1263 = arith.constant 128 : i32
      %mul3A_1264 = arith.muli %scan3A_31, %mul3A_1263 : i32
      %add3A_1265 = arith.constant 81 : i32
      %add3A_1266 = arith.addi %mul3A_1264, %add3A_1265 : i32
      %convert_element_type3A_1267 = arith.sitofp %add3A_1266 : i32 to f32
      %select_n3A_1268 = arith.select %lt3A_1262, %sub3A_1261, %select_n3A_1253 : vector<16x576xi1>, vector<16x576xf32>
      %broadcast_in_dim3A_1269 = vector.broadcast %convert_element_type3A_1267 : f32 to vector<16x576xf32>
      %select_n3A_1270 = arith.select %lt3A_1262, %broadcast_in_dim3A_1269, %select_n3A_1255 : vector<16x576xi1>, vector<16x576xf32>
      %slice3A_1271 = vector.extract_strided_slice %broadcast_in_dim3A_42 {offsets = [1312, 0], sizes = [16, 1], strides = [1, 1]} : vector<2048x1xf32> to vector<16x1xf32>
      %add3A_1272 = vector.broadcast %broadcast_in_dim3A : vector<1x576xf32> to vector<16x576xf32>
      %add3A_1273 = vector.broadcast %slice3A_1271 : vector<16x1xf32> to vector<16x576xf32>
      %add3A_1274 = arith.addf %add3A_1272, %add3A_1273 : vector<16x576xf32>
      %slice3A_1275 = vector.extract_strided_slice %dot_general3A_43 {offsets = [1312, 0], sizes = [16, 576], strides = [1, 1]} : vector<2048x576xf32> to vector<16x576xf32>
      %sub3A_1276 = arith.subf %add3A_1274, %slice3A_1275 : vector<16x576xf32>
      %lt3A_1277 = arith.cmpf olt, %sub3A_1276, %select_n3A_1268 : vector<16x576xf32>
      %mul3A_1278 = arith.constant 128 : i32
      %mul3A_1279 = arith.muli %scan3A_31, %mul3A_1278 : i32
      %add3A_1280 = arith.constant 82 : i32
      %add3A_1281 = arith.addi %mul3A_1279, %add3A_1280 : i32
      %convert_element_type3A_1282 = arith.sitofp %add3A_1281 : i32 to f32
      %select_n3A_1283 = arith.select %lt3A_1277, %sub3A_1276, %select_n3A_1268 : vector<16x576xi1>, vector<16x576xf32>
      %broadcast_in_dim3A_1284 = vector.broadcast %convert_element_type3A_1282 : f32 to vector<16x576xf32>
      %select_n3A_1285 = arith.select %lt3A_1277, %broadcast_in_dim3A_1284, %select_n3A_1270 : vector<16x576xi1>, vector<16x576xf32>
      %slice3A_1286 = vector.extract_strided_slice %broadcast_in_dim3A_42 {offsets = [1328, 0], sizes = [16, 1], strides = [1, 1]} : vector<2048x1xf32> to vector<16x1xf32>
      %add3A_1287 = vector.broadcast %broadcast_in_dim3A : vector<1x576xf32> to vector<16x576xf32>
      %add3A_1288 = vector.broadcast %slice3A_1286 : vector<16x1xf32> to vector<16x576xf32>
      %add3A_1289 = arith.addf %add3A_1287, %add3A_1288 : vector<16x576xf32>
      %slice3A_1290 = vector.extract_strided_slice %dot_general3A_43 {offsets = [1328, 0], sizes = [16, 576], strides = [1, 1]} : vector<2048x576xf32> to vector<16x576xf32>
      %sub3A_1291 = arith.subf %add3A_1289, %slice3A_1290 : vector<16x576xf32>
      %lt3A_1292 = arith.cmpf olt, %sub3A_1291, %select_n3A_1283 : vector<16x576xf32>
      %mul3A_1293 = arith.constant 128 : i32
      %mul3A_1294 = arith.muli %scan3A_31, %mul3A_1293 : i32
      %add3A_1295 = arith.constant 83 : i32
      %add3A_1296 = arith.addi %mul3A_1294, %add3A_1295 : i32
      %convert_element_type3A_1297 = arith.sitofp %add3A_1296 : i32 to f32
      %select_n3A_1298 = arith.select %lt3A_1292, %sub3A_1291, %select_n3A_1283 : vector<16x576xi1>, vector<16x576xf32>
      %broadcast_in_dim3A_1299 = vector.broadcast %convert_element_type3A_1297 : f32 to vector<16x576xf32>
      %select_n3A_1300 = arith.select %lt3A_1292, %broadcast_in_dim3A_1299, %select_n3A_1285 : vector<16x576xi1>, vector<16x576xf32>
      %slice3A_1301 = vector.extract_strided_slice %broadcast_in_dim3A_42 {offsets = [1344, 0], sizes = [16, 1], strides = [1, 1]} : vector<2048x1xf32> to vector<16x1xf32>
      %add3A_1302 = vector.broadcast %broadcast_in_dim3A : vector<1x576xf32> to vector<16x576xf32>
      %add3A_1303 = vector.broadcast %slice3A_1301 : vector<16x1xf32> to vector<16x576xf32>
      %add3A_1304 = arith.addf %add3A_1302, %add3A_1303 : vector<16x576xf32>
      %slice3A_1305 = vector.extract_strided_slice %dot_general3A_43 {offsets = [1344, 0], sizes = [16, 576], strides = [1, 1]} : vector<2048x576xf32> to vector<16x576xf32>
      %sub3A_1306 = arith.subf %add3A_1304, %slice3A_1305 : vector<16x576xf32>
      %lt3A_1307 = arith.cmpf olt, %sub3A_1306, %select_n3A_1298 : vector<16x576xf32>
      %mul3A_1308 = arith.constant 128 : i32
      %mul3A_1309 = arith.muli %scan3A_31, %mul3A_1308 : i32
      %add3A_1310 = arith.constant 84 : i32
      %add3A_1311 = arith.addi %mul3A_1309, %add3A_1310 : i32
      %convert_element_type3A_1312 = arith.sitofp %add3A_1311 : i32 to f32
      %select_n3A_1313 = arith.select %lt3A_1307, %sub3A_1306, %select_n3A_1298 : vector<16x576xi1>, vector<16x576xf32>
      %broadcast_in_dim3A_1314 = vector.broadcast %convert_element_type3A_1312 : f32 to vector<16x576xf32>
      %select_n3A_1315 = arith.select %lt3A_1307, %broadcast_in_dim3A_1314, %select_n3A_1300 : vector<16x576xi1>, vector<16x576xf32>
      %slice3A_1316 = vector.extract_strided_slice %broadcast_in_dim3A_42 {offsets = [1360, 0], sizes = [16, 1], strides = [1, 1]} : vector<2048x1xf32> to vector<16x1xf32>
      %add3A_1317 = vector.broadcast %broadcast_in_dim3A : vector<1x576xf32> to vector<16x576xf32>
      %add3A_1318 = vector.broadcast %slice3A_1316 : vector<16x1xf32> to vector<16x576xf32>
      %add3A_1319 = arith.addf %add3A_1317, %add3A_1318 : vector<16x576xf32>
      %slice3A_1320 = vector.extract_strided_slice %dot_general3A_43 {offsets = [1360, 0], sizes = [16, 576], strides = [1, 1]} : vector<2048x576xf32> to vector<16x576xf32>
      %sub3A_1321 = arith.subf %add3A_1319, %slice3A_1320 : vector<16x576xf32>
      %lt3A_1322 = arith.cmpf olt, %sub3A_1321, %select_n3A_1313 : vector<16x576xf32>
      %mul3A_1323 = arith.constant 128 : i32
      %mul3A_1324 = arith.muli %scan3A_31, %mul3A_1323 : i32
      %add3A_1325 = arith.constant 85 : i32
      %add3A_1326 = arith.addi %mul3A_1324, %add3A_1325 : i32
      %convert_element_type3A_1327 = arith.sitofp %add3A_1326 : i32 to f32
      %select_n3A_1328 = arith.select %lt3A_1322, %sub3A_1321, %select_n3A_1313 : vector<16x576xi1>, vector<16x576xf32>
      %broadcast_in_dim3A_1329 = vector.broadcast %convert_element_type3A_1327 : f32 to vector<16x576xf32>
      %select_n3A_1330 = arith.select %lt3A_1322, %broadcast_in_dim3A_1329, %select_n3A_1315 : vector<16x576xi1>, vector<16x576xf32>
      %slice3A_1331 = vector.extract_strided_slice %broadcast_in_dim3A_42 {offsets = [1376, 0], sizes = [16, 1], strides = [1, 1]} : vector<2048x1xf32> to vector<16x1xf32>
      %add3A_1332 = vector.broadcast %broadcast_in_dim3A : vector<1x576xf32> to vector<16x576xf32>
      %add3A_1333 = vector.broadcast %slice3A_1331 : vector<16x1xf32> to vector<16x576xf32>
      %add3A_1334 = arith.addf %add3A_1332, %add3A_1333 : vector<16x576xf32>
      %slice3A_1335 = vector.extract_strided_slice %dot_general3A_43 {offsets = [1376, 0], sizes = [16, 576], strides = [1, 1]} : vector<2048x576xf32> to vector<16x576xf32>
      %sub3A_1336 = arith.subf %add3A_1334, %slice3A_1335 : vector<16x576xf32>
      %lt3A_1337 = arith.cmpf olt, %sub3A_1336, %select_n3A_1328 : vector<16x576xf32>
      %mul3A_1338 = arith.constant 128 : i32
      %mul3A_1339 = arith.muli %scan3A_31, %mul3A_1338 : i32
      %add3A_1340 = arith.constant 86 : i32
      %add3A_1341 = arith.addi %mul3A_1339, %add3A_1340 : i32
      %convert_element_type3A_1342 = arith.sitofp %add3A_1341 : i32 to f32
      %select_n3A_1343 = arith.select %lt3A_1337, %sub3A_1336, %select_n3A_1328 : vector<16x576xi1>, vector<16x576xf32>
      %broadcast_in_dim3A_1344 = vector.broadcast %convert_element_type3A_1342 : f32 to vector<16x576xf32>
      %select_n3A_1345 = arith.select %lt3A_1337, %broadcast_in_dim3A_1344, %select_n3A_1330 : vector<16x576xi1>, vector<16x576xf32>
      %slice3A_1346 = vector.extract_strided_slice %broadcast_in_dim3A_42 {offsets = [1392, 0], sizes = [16, 1], strides = [1, 1]} : vector<2048x1xf32> to vector<16x1xf32>
      %add3A_1347 = vector.broadcast %broadcast_in_dim3A : vector<1x576xf32> to vector<16x576xf32>
      %add3A_1348 = vector.broadcast %slice3A_1346 : vector<16x1xf32> to vector<16x576xf32>
      %add3A_1349 = arith.addf %add3A_1347, %add3A_1348 : vector<16x576xf32>
      %slice3A_1350 = vector.extract_strided_slice %dot_general3A_43 {offsets = [1392, 0], sizes = [16, 576], strides = [1, 1]} : vector<2048x576xf32> to vector<16x576xf32>
      %sub3A_1351 = arith.subf %add3A_1349, %slice3A_1350 : vector<16x576xf32>
      %lt3A_1352 = arith.cmpf olt, %sub3A_1351, %select_n3A_1343 : vector<16x576xf32>
      %mul3A_1353 = arith.constant 128 : i32
      %mul3A_1354 = arith.muli %scan3A_31, %mul3A_1353 : i32
      %add3A_1355 = arith.constant 87 : i32
      %add3A_1356 = arith.addi %mul3A_1354, %add3A_1355 : i32
      %convert_element_type3A_1357 = arith.sitofp %add3A_1356 : i32 to f32
      %select_n3A_1358 = arith.select %lt3A_1352, %sub3A_1351, %select_n3A_1343 : vector<16x576xi1>, vector<16x576xf32>
      %broadcast_in_dim3A_1359 = vector.broadcast %convert_element_type3A_1357 : f32 to vector<16x576xf32>
      %select_n3A_1360 = arith.select %lt3A_1352, %broadcast_in_dim3A_1359, %select_n3A_1345 : vector<16x576xi1>, vector<16x576xf32>
      %slice3A_1361 = vector.extract_strided_slice %broadcast_in_dim3A_42 {offsets = [1408, 0], sizes = [16, 1], strides = [1, 1]} : vector<2048x1xf32> to vector<16x1xf32>
      %add3A_1362 = vector.broadcast %broadcast_in_dim3A : vector<1x576xf32> to vector<16x576xf32>
      %add3A_1363 = vector.broadcast %slice3A_1361 : vector<16x1xf32> to vector<16x576xf32>
      %add3A_1364 = arith.addf %add3A_1362, %add3A_1363 : vector<16x576xf32>
      %slice3A_1365 = vector.extract_strided_slice %dot_general3A_43 {offsets = [1408, 0], sizes = [16, 576], strides = [1, 1]} : vector<2048x576xf32> to vector<16x576xf32>
      %sub3A_1366 = arith.subf %add3A_1364, %slice3A_1365 : vector<16x576xf32>
      %lt3A_1367 = arith.cmpf olt, %sub3A_1366, %select_n3A_1358 : vector<16x576xf32>
      %mul3A_1368 = arith.constant 128 : i32
      %mul3A_1369 = arith.muli %scan3A_31, %mul3A_1368 : i32
      %add3A_1370 = arith.constant 88 : i32
      %add3A_1371 = arith.addi %mul3A_1369, %add3A_1370 : i32
      %convert_element_type3A_1372 = arith.sitofp %add3A_1371 : i32 to f32
      %select_n3A_1373 = arith.select %lt3A_1367, %sub3A_1366, %select_n3A_1358 : vector<16x576xi1>, vector<16x576xf32>
      %broadcast_in_dim3A_1374 = vector.broadcast %convert_element_type3A_1372 : f32 to vector<16x576xf32>
      %select_n3A_1375 = arith.select %lt3A_1367, %broadcast_in_dim3A_1374, %select_n3A_1360 : vector<16x576xi1>, vector<16x576xf32>
      %slice3A_1376 = vector.extract_strided_slice %broadcast_in_dim3A_42 {offsets = [1424, 0], sizes = [16, 1], strides = [1, 1]} : vector<2048x1xf32> to vector<16x1xf32>
      %add3A_1377 = vector.broadcast %broadcast_in_dim3A : vector<1x576xf32> to vector<16x576xf32>
      %add3A_1378 = vector.broadcast %slice3A_1376 : vector<16x1xf32> to vector<16x576xf32>
      %add3A_1379 = arith.addf %add3A_1377, %add3A_1378 : vector<16x576xf32>
      %slice3A_1380 = vector.extract_strided_slice %dot_general3A_43 {offsets = [1424, 0], sizes = [16, 576], strides = [1, 1]} : vector<2048x576xf32> to vector<16x576xf32>
      %sub3A_1381 = arith.subf %add3A_1379, %slice3A_1380 : vector<16x576xf32>
      %lt3A_1382 = arith.cmpf olt, %sub3A_1381, %select_n3A_1373 : vector<16x576xf32>
      %mul3A_1383 = arith.constant 128 : i32
      %mul3A_1384 = arith.muli %scan3A_31, %mul3A_1383 : i32
      %add3A_1385 = arith.constant 89 : i32
      %add3A_1386 = arith.addi %mul3A_1384, %add3A_1385 : i32
      %convert_element_type3A_1387 = arith.sitofp %add3A_1386 : i32 to f32
      %select_n3A_1388 = arith.select %lt3A_1382, %sub3A_1381, %select_n3A_1373 : vector<16x576xi1>, vector<16x576xf32>
      %broadcast_in_dim3A_1389 = vector.broadcast %convert_element_type3A_1387 : f32 to vector<16x576xf32>
      %select_n3A_1390 = arith.select %lt3A_1382, %broadcast_in_dim3A_1389, %select_n3A_1375 : vector<16x576xi1>, vector<16x576xf32>
      %slice3A_1391 = vector.extract_strided_slice %broadcast_in_dim3A_42 {offsets = [1440, 0], sizes = [16, 1], strides = [1, 1]} : vector<2048x1xf32> to vector<16x1xf32>
      %add3A_1392 = vector.broadcast %broadcast_in_dim3A : vector<1x576xf32> to vector<16x576xf32>
      %add3A_1393 = vector.broadcast %slice3A_1391 : vector<16x1xf32> to vector<16x576xf32>
      %add3A_1394 = arith.addf %add3A_1392, %add3A_1393 : vector<16x576xf32>
      %slice3A_1395 = vector.extract_strided_slice %dot_general3A_43 {offsets = [1440, 0], sizes = [16, 576], strides = [1, 1]} : vector<2048x576xf32> to vector<16x576xf32>
      %sub3A_1396 = arith.subf %add3A_1394, %slice3A_1395 : vector<16x576xf32>
      %lt3A_1397 = arith.cmpf olt, %sub3A_1396, %select_n3A_1388 : vector<16x576xf32>
      %mul3A_1398 = arith.constant 128 : i32
      %mul3A_1399 = arith.muli %scan3A_31, %mul3A_1398 : i32
      %add3A_1400 = arith.constant 90 : i32
      %add3A_1401 = arith.addi %mul3A_1399, %add3A_1400 : i32
      %convert_element_type3A_1402 = arith.sitofp %add3A_1401 : i32 to f32
      %select_n3A_1403 = arith.select %lt3A_1397, %sub3A_1396, %select_n3A_1388 : vector<16x576xi1>, vector<16x576xf32>
      %broadcast_in_dim3A_1404 = vector.broadcast %convert_element_type3A_1402 : f32 to vector<16x576xf32>
      %select_n3A_1405 = arith.select %lt3A_1397, %broadcast_in_dim3A_1404, %select_n3A_1390 : vector<16x576xi1>, vector<16x576xf32>
      %slice3A_1406 = vector.extract_strided_slice %broadcast_in_dim3A_42 {offsets = [1456, 0], sizes = [16, 1], strides = [1, 1]} : vector<2048x1xf32> to vector<16x1xf32>
      %add3A_1407 = vector.broadcast %broadcast_in_dim3A : vector<1x576xf32> to vector<16x576xf32>
      %add3A_1408 = vector.broadcast %slice3A_1406 : vector<16x1xf32> to vector<16x576xf32>
      %add3A_1409 = arith.addf %add3A_1407, %add3A_1408 : vector<16x576xf32>
      %slice3A_1410 = vector.extract_strided_slice %dot_general3A_43 {offsets = [1456, 0], sizes = [16, 576], strides = [1, 1]} : vector<2048x576xf32> to vector<16x576xf32>
      %sub3A_1411 = arith.subf %add3A_1409, %slice3A_1410 : vector<16x576xf32>
      %lt3A_1412 = arith.cmpf olt, %sub3A_1411, %select_n3A_1403 : vector<16x576xf32>
      %mul3A_1413 = arith.constant 128 : i32
      %mul3A_1414 = arith.muli %scan3A_31, %mul3A_1413 : i32
      %add3A_1415 = arith.constant 91 : i32
      %add3A_1416 = arith.addi %mul3A_1414, %add3A_1415 : i32
      %convert_element_type3A_1417 = arith.sitofp %add3A_1416 : i32 to f32
      %select_n3A_1418 = arith.select %lt3A_1412, %sub3A_1411, %select_n3A_1403 : vector<16x576xi1>, vector<16x576xf32>
      %broadcast_in_dim3A_1419 = vector.broadcast %convert_element_type3A_1417 : f32 to vector<16x576xf32>
      %select_n3A_1420 = arith.select %lt3A_1412, %broadcast_in_dim3A_1419, %select_n3A_1405 : vector<16x576xi1>, vector<16x576xf32>
      %slice3A_1421 = vector.extract_strided_slice %broadcast_in_dim3A_42 {offsets = [1472, 0], sizes = [16, 1], strides = [1, 1]} : vector<2048x1xf32> to vector<16x1xf32>
      %add3A_1422 = vector.broadcast %broadcast_in_dim3A : vector<1x576xf32> to vector<16x576xf32>
      %add3A_1423 = vector.broadcast %slice3A_1421 : vector<16x1xf32> to vector<16x576xf32>
      %add3A_1424 = arith.addf %add3A_1422, %add3A_1423 : vector<16x576xf32>
      %slice3A_1425 = vector.extract_strided_slice %dot_general3A_43 {offsets = [1472, 0], sizes = [16, 576], strides = [1, 1]} : vector<2048x576xf32> to vector<16x576xf32>
      %sub3A_1426 = arith.subf %add3A_1424, %slice3A_1425 : vector<16x576xf32>
      %lt3A_1427 = arith.cmpf olt, %sub3A_1426, %select_n3A_1418 : vector<16x576xf32>
      %mul3A_1428 = arith.constant 128 : i32
      %mul3A_1429 = arith.muli %scan3A_31, %mul3A_1428 : i32
      %add3A_1430 = arith.constant 92 : i32
      %add3A_1431 = arith.addi %mul3A_1429, %add3A_1430 : i32
      %convert_element_type3A_1432 = arith.sitofp %add3A_1431 : i32 to f32
      %select_n3A_1433 = arith.select %lt3A_1427, %sub3A_1426, %select_n3A_1418 : vector<16x576xi1>, vector<16x576xf32>
      %broadcast_in_dim3A_1434 = vector.broadcast %convert_element_type3A_1432 : f32 to vector<16x576xf32>
      %select_n3A_1435 = arith.select %lt3A_1427, %broadcast_in_dim3A_1434, %select_n3A_1420 : vector<16x576xi1>, vector<16x576xf32>
      %slice3A_1436 = vector.extract_strided_slice %broadcast_in_dim3A_42 {offsets = [1488, 0], sizes = [16, 1], strides = [1, 1]} : vector<2048x1xf32> to vector<16x1xf32>
      %add3A_1437 = vector.broadcast %broadcast_in_dim3A : vector<1x576xf32> to vector<16x576xf32>
      %add3A_1438 = vector.broadcast %slice3A_1436 : vector<16x1xf32> to vector<16x576xf32>
      %add3A_1439 = arith.addf %add3A_1437, %add3A_1438 : vector<16x576xf32>
      %slice3A_1440 = vector.extract_strided_slice %dot_general3A_43 {offsets = [1488, 0], sizes = [16, 576], strides = [1, 1]} : vector<2048x576xf32> to vector<16x576xf32>
      %sub3A_1441 = arith.subf %add3A_1439, %slice3A_1440 : vector<16x576xf32>
      %lt3A_1442 = arith.cmpf olt, %sub3A_1441, %select_n3A_1433 : vector<16x576xf32>
      %mul3A_1443 = arith.constant 128 : i32
      %mul3A_1444 = arith.muli %scan3A_31, %mul3A_1443 : i32
      %add3A_1445 = arith.constant 93 : i32
      %add3A_1446 = arith.addi %mul3A_1444, %add3A_1445 : i32
      %convert_element_type3A_1447 = arith.sitofp %add3A_1446 : i32 to f32
      %select_n3A_1448 = arith.select %lt3A_1442, %sub3A_1441, %select_n3A_1433 : vector<16x576xi1>, vector<16x576xf32>
      %broadcast_in_dim3A_1449 = vector.broadcast %convert_element_type3A_1447 : f32 to vector<16x576xf32>
      %select_n3A_1450 = arith.select %lt3A_1442, %broadcast_in_dim3A_1449, %select_n3A_1435 : vector<16x576xi1>, vector<16x576xf32>
      %slice3A_1451 = vector.extract_strided_slice %broadcast_in_dim3A_42 {offsets = [1504, 0], sizes = [16, 1], strides = [1, 1]} : vector<2048x1xf32> to vector<16x1xf32>
      %add3A_1452 = vector.broadcast %broadcast_in_dim3A : vector<1x576xf32> to vector<16x576xf32>
      %add3A_1453 = vector.broadcast %slice3A_1451 : vector<16x1xf32> to vector<16x576xf32>
      %add3A_1454 = arith.addf %add3A_1452, %add3A_1453 : vector<16x576xf32>
      %slice3A_1455 = vector.extract_strided_slice %dot_general3A_43 {offsets = [1504, 0], sizes = [16, 576], strides = [1, 1]} : vector<2048x576xf32> to vector<16x576xf32>
      %sub3A_1456 = arith.subf %add3A_1454, %slice3A_1455 : vector<16x576xf32>
      %lt3A_1457 = arith.cmpf olt, %sub3A_1456, %select_n3A_1448 : vector<16x576xf32>
      %mul3A_1458 = arith.constant 128 : i32
      %mul3A_1459 = arith.muli %scan3A_31, %mul3A_1458 : i32
      %add3A_1460 = arith.constant 94 : i32
      %add3A_1461 = arith.addi %mul3A_1459, %add3A_1460 : i32
      %convert_element_type3A_1462 = arith.sitofp %add3A_1461 : i32 to f32
      %select_n3A_1463 = arith.select %lt3A_1457, %sub3A_1456, %select_n3A_1448 : vector<16x576xi1>, vector<16x576xf32>
      %broadcast_in_dim3A_1464 = vector.broadcast %convert_element_type3A_1462 : f32 to vector<16x576xf32>
      %select_n3A_1465 = arith.select %lt3A_1457, %broadcast_in_dim3A_1464, %select_n3A_1450 : vector<16x576xi1>, vector<16x576xf32>
      %slice3A_1466 = vector.extract_strided_slice %broadcast_in_dim3A_42 {offsets = [1520, 0], sizes = [16, 1], strides = [1, 1]} : vector<2048x1xf32> to vector<16x1xf32>
      %add3A_1467 = vector.broadcast %broadcast_in_dim3A : vector<1x576xf32> to vector<16x576xf32>
      %add3A_1468 = vector.broadcast %slice3A_1466 : vector<16x1xf32> to vector<16x576xf32>
      %add3A_1469 = arith.addf %add3A_1467, %add3A_1468 : vector<16x576xf32>
      %slice3A_1470 = vector.extract_strided_slice %dot_general3A_43 {offsets = [1520, 0], sizes = [16, 576], strides = [1, 1]} : vector<2048x576xf32> to vector<16x576xf32>
      %sub3A_1471 = arith.subf %add3A_1469, %slice3A_1470 : vector<16x576xf32>
      %lt3A_1472 = arith.cmpf olt, %sub3A_1471, %select_n3A_1463 : vector<16x576xf32>
      %mul3A_1473 = arith.constant 128 : i32
      %mul3A_1474 = arith.muli %scan3A_31, %mul3A_1473 : i32
      %add3A_1475 = arith.constant 95 : i32
      %add3A_1476 = arith.addi %mul3A_1474, %add3A_1475 : i32
      %convert_element_type3A_1477 = arith.sitofp %add3A_1476 : i32 to f32
      %select_n3A_1478 = arith.select %lt3A_1472, %sub3A_1471, %select_n3A_1463 : vector<16x576xi1>, vector<16x576xf32>
      %broadcast_in_dim3A_1479 = vector.broadcast %convert_element_type3A_1477 : f32 to vector<16x576xf32>
      %select_n3A_1480 = arith.select %lt3A_1472, %broadcast_in_dim3A_1479, %select_n3A_1465 : vector<16x576xi1>, vector<16x576xf32>
      %slice3A_1481 = vector.extract_strided_slice %broadcast_in_dim3A_42 {offsets = [1536, 0], sizes = [16, 1], strides = [1, 1]} : vector<2048x1xf32> to vector<16x1xf32>
      %add3A_1482 = vector.broadcast %broadcast_in_dim3A : vector<1x576xf32> to vector<16x576xf32>
      %add3A_1483 = vector.broadcast %slice3A_1481 : vector<16x1xf32> to vector<16x576xf32>
      %add3A_1484 = arith.addf %add3A_1482, %add3A_1483 : vector<16x576xf32>
      %slice3A_1485 = vector.extract_strided_slice %dot_general3A_43 {offsets = [1536, 0], sizes = [16, 576], strides = [1, 1]} : vector<2048x576xf32> to vector<16x576xf32>
      %sub3A_1486 = arith.subf %add3A_1484, %slice3A_1485 : vector<16x576xf32>
      %lt3A_1487 = arith.cmpf olt, %sub3A_1486, %select_n3A_1478 : vector<16x576xf32>
      %mul3A_1488 = arith.constant 128 : i32
      %mul3A_1489 = arith.muli %scan3A_31, %mul3A_1488 : i32
      %add3A_1490 = arith.constant 96 : i32
      %add3A_1491 = arith.addi %mul3A_1489, %add3A_1490 : i32
      %convert_element_type3A_1492 = arith.sitofp %add3A_1491 : i32 to f32
      %select_n3A_1493 = arith.select %lt3A_1487, %sub3A_1486, %select_n3A_1478 : vector<16x576xi1>, vector<16x576xf32>
      %broadcast_in_dim3A_1494 = vector.broadcast %convert_element_type3A_1492 : f32 to vector<16x576xf32>
      %select_n3A_1495 = arith.select %lt3A_1487, %broadcast_in_dim3A_1494, %select_n3A_1480 : vector<16x576xi1>, vector<16x576xf32>
      %slice3A_1496 = vector.extract_strided_slice %broadcast_in_dim3A_42 {offsets = [1552, 0], sizes = [16, 1], strides = [1, 1]} : vector<2048x1xf32> to vector<16x1xf32>
      %add3A_1497 = vector.broadcast %broadcast_in_dim3A : vector<1x576xf32> to vector<16x576xf32>
      %add3A_1498 = vector.broadcast %slice3A_1496 : vector<16x1xf32> to vector<16x576xf32>
      %add3A_1499 = arith.addf %add3A_1497, %add3A_1498 : vector<16x576xf32>
      %slice3A_1500 = vector.extract_strided_slice %dot_general3A_43 {offsets = [1552, 0], sizes = [16, 576], strides = [1, 1]} : vector<2048x576xf32> to vector<16x576xf32>
      %sub3A_1501 = arith.subf %add3A_1499, %slice3A_1500 : vector<16x576xf32>
      %lt3A_1502 = arith.cmpf olt, %sub3A_1501, %select_n3A_1493 : vector<16x576xf32>
      %mul3A_1503 = arith.constant 128 : i32
      %mul3A_1504 = arith.muli %scan3A_31, %mul3A_1503 : i32
      %add3A_1505 = arith.constant 97 : i32
      %add3A_1506 = arith.addi %mul3A_1504, %add3A_1505 : i32
      %convert_element_type3A_1507 = arith.sitofp %add3A_1506 : i32 to f32
      %select_n3A_1508 = arith.select %lt3A_1502, %sub3A_1501, %select_n3A_1493 : vector<16x576xi1>, vector<16x576xf32>
      %broadcast_in_dim3A_1509 = vector.broadcast %convert_element_type3A_1507 : f32 to vector<16x576xf32>
      %select_n3A_1510 = arith.select %lt3A_1502, %broadcast_in_dim3A_1509, %select_n3A_1495 : vector<16x576xi1>, vector<16x576xf32>
      %slice3A_1511 = vector.extract_strided_slice %broadcast_in_dim3A_42 {offsets = [1568, 0], sizes = [16, 1], strides = [1, 1]} : vector<2048x1xf32> to vector<16x1xf32>
      %add3A_1512 = vector.broadcast %broadcast_in_dim3A : vector<1x576xf32> to vector<16x576xf32>
      %add3A_1513 = vector.broadcast %slice3A_1511 : vector<16x1xf32> to vector<16x576xf32>
      %add3A_1514 = arith.addf %add3A_1512, %add3A_1513 : vector<16x576xf32>
      %slice3A_1515 = vector.extract_strided_slice %dot_general3A_43 {offsets = [1568, 0], sizes = [16, 576], strides = [1, 1]} : vector<2048x576xf32> to vector<16x576xf32>
      %sub3A_1516 = arith.subf %add3A_1514, %slice3A_1515 : vector<16x576xf32>
      %lt3A_1517 = arith.cmpf olt, %sub3A_1516, %select_n3A_1508 : vector<16x576xf32>
      %mul3A_1518 = arith.constant 128 : i32
      %mul3A_1519 = arith.muli %scan3A_31, %mul3A_1518 : i32
      %add3A_1520 = arith.constant 98 : i32
      %add3A_1521 = arith.addi %mul3A_1519, %add3A_1520 : i32
      %convert_element_type3A_1522 = arith.sitofp %add3A_1521 : i32 to f32
      %select_n3A_1523 = arith.select %lt3A_1517, %sub3A_1516, %select_n3A_1508 : vector<16x576xi1>, vector<16x576xf32>
      %broadcast_in_dim3A_1524 = vector.broadcast %convert_element_type3A_1522 : f32 to vector<16x576xf32>
      %select_n3A_1525 = arith.select %lt3A_1517, %broadcast_in_dim3A_1524, %select_n3A_1510 : vector<16x576xi1>, vector<16x576xf32>
      %slice3A_1526 = vector.extract_strided_slice %broadcast_in_dim3A_42 {offsets = [1584, 0], sizes = [16, 1], strides = [1, 1]} : vector<2048x1xf32> to vector<16x1xf32>
      %add3A_1527 = vector.broadcast %broadcast_in_dim3A : vector<1x576xf32> to vector<16x576xf32>
      %add3A_1528 = vector.broadcast %slice3A_1526 : vector<16x1xf32> to vector<16x576xf32>
      %add3A_1529 = arith.addf %add3A_1527, %add3A_1528 : vector<16x576xf32>
      %slice3A_1530 = vector.extract_strided_slice %dot_general3A_43 {offsets = [1584, 0], sizes = [16, 576], strides = [1, 1]} : vector<2048x576xf32> to vector<16x576xf32>
      %sub3A_1531 = arith.subf %add3A_1529, %slice3A_1530 : vector<16x576xf32>
      %lt3A_1532 = arith.cmpf olt, %sub3A_1531, %select_n3A_1523 : vector<16x576xf32>
      %mul3A_1533 = arith.constant 128 : i32
      %mul3A_1534 = arith.muli %scan3A_31, %mul3A_1533 : i32
      %add3A_1535 = arith.constant 99 : i32
      %add3A_1536 = arith.addi %mul3A_1534, %add3A_1535 : i32
      %convert_element_type3A_1537 = arith.sitofp %add3A_1536 : i32 to f32
      %select_n3A_1538 = arith.select %lt3A_1532, %sub3A_1531, %select_n3A_1523 : vector<16x576xi1>, vector<16x576xf32>
      %broadcast_in_dim3A_1539 = vector.broadcast %convert_element_type3A_1537 : f32 to vector<16x576xf32>
      %select_n3A_1540 = arith.select %lt3A_1532, %broadcast_in_dim3A_1539, %select_n3A_1525 : vector<16x576xi1>, vector<16x576xf32>
      %slice3A_1541 = vector.extract_strided_slice %broadcast_in_dim3A_42 {offsets = [1600, 0], sizes = [16, 1], strides = [1, 1]} : vector<2048x1xf32> to vector<16x1xf32>
      %add3A_1542 = vector.broadcast %broadcast_in_dim3A : vector<1x576xf32> to vector<16x576xf32>
      %add3A_1543 = vector.broadcast %slice3A_1541 : vector<16x1xf32> to vector<16x576xf32>
      %add3A_1544 = arith.addf %add3A_1542, %add3A_1543 : vector<16x576xf32>
      %slice3A_1545 = vector.extract_strided_slice %dot_general3A_43 {offsets = [1600, 0], sizes = [16, 576], strides = [1, 1]} : vector<2048x576xf32> to vector<16x576xf32>
      %sub3A_1546 = arith.subf %add3A_1544, %slice3A_1545 : vector<16x576xf32>
      %lt3A_1547 = arith.cmpf olt, %sub3A_1546, %select_n3A_1538 : vector<16x576xf32>
      %mul3A_1548 = arith.constant 128 : i32
      %mul3A_1549 = arith.muli %scan3A_31, %mul3A_1548 : i32
      %add3A_1550 = arith.constant 100 : i32
      %add3A_1551 = arith.addi %mul3A_1549, %add3A_1550 : i32
      %convert_element_type3A_1552 = arith.sitofp %add3A_1551 : i32 to f32
      %select_n3A_1553 = arith.select %lt3A_1547, %sub3A_1546, %select_n3A_1538 : vector<16x576xi1>, vector<16x576xf32>
      %broadcast_in_dim3A_1554 = vector.broadcast %convert_element_type3A_1552 : f32 to vector<16x576xf32>
      %select_n3A_1555 = arith.select %lt3A_1547, %broadcast_in_dim3A_1554, %select_n3A_1540 : vector<16x576xi1>, vector<16x576xf32>
      %slice3A_1556 = vector.extract_strided_slice %broadcast_in_dim3A_42 {offsets = [1616, 0], sizes = [16, 1], strides = [1, 1]} : vector<2048x1xf32> to vector<16x1xf32>
      %add3A_1557 = vector.broadcast %broadcast_in_dim3A : vector<1x576xf32> to vector<16x576xf32>
      %add3A_1558 = vector.broadcast %slice3A_1556 : vector<16x1xf32> to vector<16x576xf32>
      %add3A_1559 = arith.addf %add3A_1557, %add3A_1558 : vector<16x576xf32>
      %slice3A_1560 = vector.extract_strided_slice %dot_general3A_43 {offsets = [1616, 0], sizes = [16, 576], strides = [1, 1]} : vector<2048x576xf32> to vector<16x576xf32>
      %sub3A_1561 = arith.subf %add3A_1559, %slice3A_1560 : vector<16x576xf32>
      %lt3A_1562 = arith.cmpf olt, %sub3A_1561, %select_n3A_1553 : vector<16x576xf32>
      %mul3A_1563 = arith.constant 128 : i32
      %mul3A_1564 = arith.muli %scan3A_31, %mul3A_1563 : i32
      %add3A_1565 = arith.constant 101 : i32
      %add3A_1566 = arith.addi %mul3A_1564, %add3A_1565 : i32
      %convert_element_type3A_1567 = arith.sitofp %add3A_1566 : i32 to f32
      %select_n3A_1568 = arith.select %lt3A_1562, %sub3A_1561, %select_n3A_1553 : vector<16x576xi1>, vector<16x576xf32>
      %broadcast_in_dim3A_1569 = vector.broadcast %convert_element_type3A_1567 : f32 to vector<16x576xf32>
      %select_n3A_1570 = arith.select %lt3A_1562, %broadcast_in_dim3A_1569, %select_n3A_1555 : vector<16x576xi1>, vector<16x576xf32>
      %slice3A_1571 = vector.extract_strided_slice %broadcast_in_dim3A_42 {offsets = [1632, 0], sizes = [16, 1], strides = [1, 1]} : vector<2048x1xf32> to vector<16x1xf32>
      %add3A_1572 = vector.broadcast %broadcast_in_dim3A : vector<1x576xf32> to vector<16x576xf32>
      %add3A_1573 = vector.broadcast %slice3A_1571 : vector<16x1xf32> to vector<16x576xf32>
      %add3A_1574 = arith.addf %add3A_1572, %add3A_1573 : vector<16x576xf32>
      %slice3A_1575 = vector.extract_strided_slice %dot_general3A_43 {offsets = [1632, 0], sizes = [16, 576], strides = [1, 1]} : vector<2048x576xf32> to vector<16x576xf32>
      %sub3A_1576 = arith.subf %add3A_1574, %slice3A_1575 : vector<16x576xf32>
      %lt3A_1577 = arith.cmpf olt, %sub3A_1576, %select_n3A_1568 : vector<16x576xf32>
      %mul3A_1578 = arith.constant 128 : i32
      %mul3A_1579 = arith.muli %scan3A_31, %mul3A_1578 : i32
      %add3A_1580 = arith.constant 102 : i32
      %add3A_1581 = arith.addi %mul3A_1579, %add3A_1580 : i32
      %convert_element_type3A_1582 = arith.sitofp %add3A_1581 : i32 to f32
      %select_n3A_1583 = arith.select %lt3A_1577, %sub3A_1576, %select_n3A_1568 : vector<16x576xi1>, vector<16x576xf32>
      %broadcast_in_dim3A_1584 = vector.broadcast %convert_element_type3A_1582 : f32 to vector<16x576xf32>
      %select_n3A_1585 = arith.select %lt3A_1577, %broadcast_in_dim3A_1584, %select_n3A_1570 : vector<16x576xi1>, vector<16x576xf32>
      %slice3A_1586 = vector.extract_strided_slice %broadcast_in_dim3A_42 {offsets = [1648, 0], sizes = [16, 1], strides = [1, 1]} : vector<2048x1xf32> to vector<16x1xf32>
      %add3A_1587 = vector.broadcast %broadcast_in_dim3A : vector<1x576xf32> to vector<16x576xf32>
      %add3A_1588 = vector.broadcast %slice3A_1586 : vector<16x1xf32> to vector<16x576xf32>
      %add3A_1589 = arith.addf %add3A_1587, %add3A_1588 : vector<16x576xf32>
      %slice3A_1590 = vector.extract_strided_slice %dot_general3A_43 {offsets = [1648, 0], sizes = [16, 576], strides = [1, 1]} : vector<2048x576xf32> to vector<16x576xf32>
      %sub3A_1591 = arith.subf %add3A_1589, %slice3A_1590 : vector<16x576xf32>
      %lt3A_1592 = arith.cmpf olt, %sub3A_1591, %select_n3A_1583 : vector<16x576xf32>
      %mul3A_1593 = arith.constant 128 : i32
      %mul3A_1594 = arith.muli %scan3A_31, %mul3A_1593 : i32
      %add3A_1595 = arith.constant 103 : i32
      %add3A_1596 = arith.addi %mul3A_1594, %add3A_1595 : i32
      %convert_element_type3A_1597 = arith.sitofp %add3A_1596 : i32 to f32
      %select_n3A_1598 = arith.select %lt3A_1592, %sub3A_1591, %select_n3A_1583 : vector<16x576xi1>, vector<16x576xf32>
      %broadcast_in_dim3A_1599 = vector.broadcast %convert_element_type3A_1597 : f32 to vector<16x576xf32>
      %select_n3A_1600 = arith.select %lt3A_1592, %broadcast_in_dim3A_1599, %select_n3A_1585 : vector<16x576xi1>, vector<16x576xf32>
      %slice3A_1601 = vector.extract_strided_slice %broadcast_in_dim3A_42 {offsets = [1664, 0], sizes = [16, 1], strides = [1, 1]} : vector<2048x1xf32> to vector<16x1xf32>
      %add3A_1602 = vector.broadcast %broadcast_in_dim3A : vector<1x576xf32> to vector<16x576xf32>
      %add3A_1603 = vector.broadcast %slice3A_1601 : vector<16x1xf32> to vector<16x576xf32>
      %add3A_1604 = arith.addf %add3A_1602, %add3A_1603 : vector<16x576xf32>
      %slice3A_1605 = vector.extract_strided_slice %dot_general3A_43 {offsets = [1664, 0], sizes = [16, 576], strides = [1, 1]} : vector<2048x576xf32> to vector<16x576xf32>
      %sub3A_1606 = arith.subf %add3A_1604, %slice3A_1605 : vector<16x576xf32>
      %lt3A_1607 = arith.cmpf olt, %sub3A_1606, %select_n3A_1598 : vector<16x576xf32>
      %mul3A_1608 = arith.constant 128 : i32
      %mul3A_1609 = arith.muli %scan3A_31, %mul3A_1608 : i32
      %add3A_1610 = arith.constant 104 : i32
      %add3A_1611 = arith.addi %mul3A_1609, %add3A_1610 : i32
      %convert_element_type3A_1612 = arith.sitofp %add3A_1611 : i32 to f32
      %select_n3A_1613 = arith.select %lt3A_1607, %sub3A_1606, %select_n3A_1598 : vector<16x576xi1>, vector<16x576xf32>
      %broadcast_in_dim3A_1614 = vector.broadcast %convert_element_type3A_1612 : f32 to vector<16x576xf32>
      %select_n3A_1615 = arith.select %lt3A_1607, %broadcast_in_dim3A_1614, %select_n3A_1600 : vector<16x576xi1>, vector<16x576xf32>
      %slice3A_1616 = vector.extract_strided_slice %broadcast_in_dim3A_42 {offsets = [1680, 0], sizes = [16, 1], strides = [1, 1]} : vector<2048x1xf32> to vector<16x1xf32>
      %add3A_1617 = vector.broadcast %broadcast_in_dim3A : vector<1x576xf32> to vector<16x576xf32>
      %add3A_1618 = vector.broadcast %slice3A_1616 : vector<16x1xf32> to vector<16x576xf32>
      %add3A_1619 = arith.addf %add3A_1617, %add3A_1618 : vector<16x576xf32>
      %slice3A_1620 = vector.extract_strided_slice %dot_general3A_43 {offsets = [1680, 0], sizes = [16, 576], strides = [1, 1]} : vector<2048x576xf32> to vector<16x576xf32>
      %sub3A_1621 = arith.subf %add3A_1619, %slice3A_1620 : vector<16x576xf32>
      %lt3A_1622 = arith.cmpf olt, %sub3A_1621, %select_n3A_1613 : vector<16x576xf32>
      %mul3A_1623 = arith.constant 128 : i32
      %mul3A_1624 = arith.muli %scan3A_31, %mul3A_1623 : i32
      %add3A_1625 = arith.constant 105 : i32
      %add3A_1626 = arith.addi %mul3A_1624, %add3A_1625 : i32
      %convert_element_type3A_1627 = arith.sitofp %add3A_1626 : i32 to f32
      %select_n3A_1628 = arith.select %lt3A_1622, %sub3A_1621, %select_n3A_1613 : vector<16x576xi1>, vector<16x576xf32>
      %broadcast_in_dim3A_1629 = vector.broadcast %convert_element_type3A_1627 : f32 to vector<16x576xf32>
      %select_n3A_1630 = arith.select %lt3A_1622, %broadcast_in_dim3A_1629, %select_n3A_1615 : vector<16x576xi1>, vector<16x576xf32>
      %slice3A_1631 = vector.extract_strided_slice %broadcast_in_dim3A_42 {offsets = [1696, 0], sizes = [16, 1], strides = [1, 1]} : vector<2048x1xf32> to vector<16x1xf32>
      %add3A_1632 = vector.broadcast %broadcast_in_dim3A : vector<1x576xf32> to vector<16x576xf32>
      %add3A_1633 = vector.broadcast %slice3A_1631 : vector<16x1xf32> to vector<16x576xf32>
      %add3A_1634 = arith.addf %add3A_1632, %add3A_1633 : vector<16x576xf32>
      %slice3A_1635 = vector.extract_strided_slice %dot_general3A_43 {offsets = [1696, 0], sizes = [16, 576], strides = [1, 1]} : vector<2048x576xf32> to vector<16x576xf32>
      %sub3A_1636 = arith.subf %add3A_1634, %slice3A_1635 : vector<16x576xf32>
      %lt3A_1637 = arith.cmpf olt, %sub3A_1636, %select_n3A_1628 : vector<16x576xf32>
      %mul3A_1638 = arith.constant 128 : i32
      %mul3A_1639 = arith.muli %scan3A_31, %mul3A_1638 : i32
      %add3A_1640 = arith.constant 106 : i32
      %add3A_1641 = arith.addi %mul3A_1639, %add3A_1640 : i32
      %convert_element_type3A_1642 = arith.sitofp %add3A_1641 : i32 to f32
      %select_n3A_1643 = arith.select %lt3A_1637, %sub3A_1636, %select_n3A_1628 : vector<16x576xi1>, vector<16x576xf32>
      %broadcast_in_dim3A_1644 = vector.broadcast %convert_element_type3A_1642 : f32 to vector<16x576xf32>
      %select_n3A_1645 = arith.select %lt3A_1637, %broadcast_in_dim3A_1644, %select_n3A_1630 : vector<16x576xi1>, vector<16x576xf32>
      %slice3A_1646 = vector.extract_strided_slice %broadcast_in_dim3A_42 {offsets = [1712, 0], sizes = [16, 1], strides = [1, 1]} : vector<2048x1xf32> to vector<16x1xf32>
      %add3A_1647 = vector.broadcast %broadcast_in_dim3A : vector<1x576xf32> to vector<16x576xf32>
      %add3A_1648 = vector.broadcast %slice3A_1646 : vector<16x1xf32> to vector<16x576xf32>
      %add3A_1649 = arith.addf %add3A_1647, %add3A_1648 : vector<16x576xf32>
      %slice3A_1650 = vector.extract_strided_slice %dot_general3A_43 {offsets = [1712, 0], sizes = [16, 576], strides = [1, 1]} : vector<2048x576xf32> to vector<16x576xf32>
      %sub3A_1651 = arith.subf %add3A_1649, %slice3A_1650 : vector<16x576xf32>
      %lt3A_1652 = arith.cmpf olt, %sub3A_1651, %select_n3A_1643 : vector<16x576xf32>
      %mul3A_1653 = arith.constant 128 : i32
      %mul3A_1654 = arith.muli %scan3A_31, %mul3A_1653 : i32
      %add3A_1655 = arith.constant 107 : i32
      %add3A_1656 = arith.addi %mul3A_1654, %add3A_1655 : i32
      %convert_element_type3A_1657 = arith.sitofp %add3A_1656 : i32 to f32
      %select_n3A_1658 = arith.select %lt3A_1652, %sub3A_1651, %select_n3A_1643 : vector<16x576xi1>, vector<16x576xf32>
      %broadcast_in_dim3A_1659 = vector.broadcast %convert_element_type3A_1657 : f32 to vector<16x576xf32>
      %select_n3A_1660 = arith.select %lt3A_1652, %broadcast_in_dim3A_1659, %select_n3A_1645 : vector<16x576xi1>, vector<16x576xf32>
      %slice3A_1661 = vector.extract_strided_slice %broadcast_in_dim3A_42 {offsets = [1728, 0], sizes = [16, 1], strides = [1, 1]} : vector<2048x1xf32> to vector<16x1xf32>
      %add3A_1662 = vector.broadcast %broadcast_in_dim3A : vector<1x576xf32> to vector<16x576xf32>
      %add3A_1663 = vector.broadcast %slice3A_1661 : vector<16x1xf32> to vector<16x576xf32>
      %add3A_1664 = arith.addf %add3A_1662, %add3A_1663 : vector<16x576xf32>
      %slice3A_1665 = vector.extract_strided_slice %dot_general3A_43 {offsets = [1728, 0], sizes = [16, 576], strides = [1, 1]} : vector<2048x576xf32> to vector<16x576xf32>
      %sub3A_1666 = arith.subf %add3A_1664, %slice3A_1665 : vector<16x576xf32>
      %lt3A_1667 = arith.cmpf olt, %sub3A_1666, %select_n3A_1658 : vector<16x576xf32>
      %mul3A_1668 = arith.constant 128 : i32
      %mul3A_1669 = arith.muli %scan3A_31, %mul3A_1668 : i32
      %add3A_1670 = arith.constant 108 : i32
      %add3A_1671 = arith.addi %mul3A_1669, %add3A_1670 : i32
      %convert_element_type3A_1672 = arith.sitofp %add3A_1671 : i32 to f32
      %select_n3A_1673 = arith.select %lt3A_1667, %sub3A_1666, %select_n3A_1658 : vector<16x576xi1>, vector<16x576xf32>
      %broadcast_in_dim3A_1674 = vector.broadcast %convert_element_type3A_1672 : f32 to vector<16x576xf32>
      %select_n3A_1675 = arith.select %lt3A_1667, %broadcast_in_dim3A_1674, %select_n3A_1660 : vector<16x576xi1>, vector<16x576xf32>
      %slice3A_1676 = vector.extract_strided_slice %broadcast_in_dim3A_42 {offsets = [1744, 0], sizes = [16, 1], strides = [1, 1]} : vector<2048x1xf32> to vector<16x1xf32>
      %add3A_1677 = vector.broadcast %broadcast_in_dim3A : vector<1x576xf32> to vector<16x576xf32>
      %add3A_1678 = vector.broadcast %slice3A_1676 : vector<16x1xf32> to vector<16x576xf32>
      %add3A_1679 = arith.addf %add3A_1677, %add3A_1678 : vector<16x576xf32>
      %slice3A_1680 = vector.extract_strided_slice %dot_general3A_43 {offsets = [1744, 0], sizes = [16, 576], strides = [1, 1]} : vector<2048x576xf32> to vector<16x576xf32>
      %sub3A_1681 = arith.subf %add3A_1679, %slice3A_1680 : vector<16x576xf32>
      %lt3A_1682 = arith.cmpf olt, %sub3A_1681, %select_n3A_1673 : vector<16x576xf32>
      %mul3A_1683 = arith.constant 128 : i32
      %mul3A_1684 = arith.muli %scan3A_31, %mul3A_1683 : i32
      %add3A_1685 = arith.constant 109 : i32
      %add3A_1686 = arith.addi %mul3A_1684, %add3A_1685 : i32
      %convert_element_type3A_1687 = arith.sitofp %add3A_1686 : i32 to f32
      %select_n3A_1688 = arith.select %lt3A_1682, %sub3A_1681, %select_n3A_1673 : vector<16x576xi1>, vector<16x576xf32>
      %broadcast_in_dim3A_1689 = vector.broadcast %convert_element_type3A_1687 : f32 to vector<16x576xf32>
      %select_n3A_1690 = arith.select %lt3A_1682, %broadcast_in_dim3A_1689, %select_n3A_1675 : vector<16x576xi1>, vector<16x576xf32>
      %slice3A_1691 = vector.extract_strided_slice %broadcast_in_dim3A_42 {offsets = [1760, 0], sizes = [16, 1], strides = [1, 1]} : vector<2048x1xf32> to vector<16x1xf32>
      %add3A_1692 = vector.broadcast %broadcast_in_dim3A : vector<1x576xf32> to vector<16x576xf32>
      %add3A_1693 = vector.broadcast %slice3A_1691 : vector<16x1xf32> to vector<16x576xf32>
      %add3A_1694 = arith.addf %add3A_1692, %add3A_1693 : vector<16x576xf32>
      %slice3A_1695 = vector.extract_strided_slice %dot_general3A_43 {offsets = [1760, 0], sizes = [16, 576], strides = [1, 1]} : vector<2048x576xf32> to vector<16x576xf32>
      %sub3A_1696 = arith.subf %add3A_1694, %slice3A_1695 : vector<16x576xf32>
      %lt3A_1697 = arith.cmpf olt, %sub3A_1696, %select_n3A_1688 : vector<16x576xf32>
      %mul3A_1698 = arith.constant 128 : i32
      %mul3A_1699 = arith.muli %scan3A_31, %mul3A_1698 : i32
      %add3A_1700 = arith.constant 110 : i32
      %add3A_1701 = arith.addi %mul3A_1699, %add3A_1700 : i32
      %convert_element_type3A_1702 = arith.sitofp %add3A_1701 : i32 to f32
      %select_n3A_1703 = arith.select %lt3A_1697, %sub3A_1696, %select_n3A_1688 : vector<16x576xi1>, vector<16x576xf32>
      %broadcast_in_dim3A_1704 = vector.broadcast %convert_element_type3A_1702 : f32 to vector<16x576xf32>
      %select_n3A_1705 = arith.select %lt3A_1697, %broadcast_in_dim3A_1704, %select_n3A_1690 : vector<16x576xi1>, vector<16x576xf32>
      %slice3A_1706 = vector.extract_strided_slice %broadcast_in_dim3A_42 {offsets = [1776, 0], sizes = [16, 1], strides = [1, 1]} : vector<2048x1xf32> to vector<16x1xf32>
      %add3A_1707 = vector.broadcast %broadcast_in_dim3A : vector<1x576xf32> to vector<16x576xf32>
      %add3A_1708 = vector.broadcast %slice3A_1706 : vector<16x1xf32> to vector<16x576xf32>
      %add3A_1709 = arith.addf %add3A_1707, %add3A_1708 : vector<16x576xf32>
      %slice3A_1710 = vector.extract_strided_slice %dot_general3A_43 {offsets = [1776, 0], sizes = [16, 576], strides = [1, 1]} : vector<2048x576xf32> to vector<16x576xf32>
      %sub3A_1711 = arith.subf %add3A_1709, %slice3A_1710 : vector<16x576xf32>
      %lt3A_1712 = arith.cmpf olt, %sub3A_1711, %select_n3A_1703 : vector<16x576xf32>
      %mul3A_1713 = arith.constant 128 : i32
      %mul3A_1714 = arith.muli %scan3A_31, %mul3A_1713 : i32
      %add3A_1715 = arith.constant 111 : i32
      %add3A_1716 = arith.addi %mul3A_1714, %add3A_1715 : i32
      %convert_element_type3A_1717 = arith.sitofp %add3A_1716 : i32 to f32
      %select_n3A_1718 = arith.select %lt3A_1712, %sub3A_1711, %select_n3A_1703 : vector<16x576xi1>, vector<16x576xf32>
      %broadcast_in_dim3A_1719 = vector.broadcast %convert_element_type3A_1717 : f32 to vector<16x576xf32>
      %select_n3A_1720 = arith.select %lt3A_1712, %broadcast_in_dim3A_1719, %select_n3A_1705 : vector<16x576xi1>, vector<16x576xf32>
      %slice3A_1721 = vector.extract_strided_slice %broadcast_in_dim3A_42 {offsets = [1792, 0], sizes = [16, 1], strides = [1, 1]} : vector<2048x1xf32> to vector<16x1xf32>
      %add3A_1722 = vector.broadcast %broadcast_in_dim3A : vector<1x576xf32> to vector<16x576xf32>
      %add3A_1723 = vector.broadcast %slice3A_1721 : vector<16x1xf32> to vector<16x576xf32>
      %add3A_1724 = arith.addf %add3A_1722, %add3A_1723 : vector<16x576xf32>
      %slice3A_1725 = vector.extract_strided_slice %dot_general3A_43 {offsets = [1792, 0], sizes = [16, 576], strides = [1, 1]} : vector<2048x576xf32> to vector<16x576xf32>
      %sub3A_1726 = arith.subf %add3A_1724, %slice3A_1725 : vector<16x576xf32>
      %lt3A_1727 = arith.cmpf olt, %sub3A_1726, %select_n3A_1718 : vector<16x576xf32>
      %mul3A_1728 = arith.constant 128 : i32
      %mul3A_1729 = arith.muli %scan3A_31, %mul3A_1728 : i32
      %add3A_1730 = arith.constant 112 : i32
      %add3A_1731 = arith.addi %mul3A_1729, %add3A_1730 : i32
      %convert_element_type3A_1732 = arith.sitofp %add3A_1731 : i32 to f32
      %select_n3A_1733 = arith.select %lt3A_1727, %sub3A_1726, %select_n3A_1718 : vector<16x576xi1>, vector<16x576xf32>
      %broadcast_in_dim3A_1734 = vector.broadcast %convert_element_type3A_1732 : f32 to vector<16x576xf32>
      %select_n3A_1735 = arith.select %lt3A_1727, %broadcast_in_dim3A_1734, %select_n3A_1720 : vector<16x576xi1>, vector<16x576xf32>
      %slice3A_1736 = vector.extract_strided_slice %broadcast_in_dim3A_42 {offsets = [1808, 0], sizes = [16, 1], strides = [1, 1]} : vector<2048x1xf32> to vector<16x1xf32>
      %add3A_1737 = vector.broadcast %broadcast_in_dim3A : vector<1x576xf32> to vector<16x576xf32>
      %add3A_1738 = vector.broadcast %slice3A_1736 : vector<16x1xf32> to vector<16x576xf32>
      %add3A_1739 = arith.addf %add3A_1737, %add3A_1738 : vector<16x576xf32>
      %slice3A_1740 = vector.extract_strided_slice %dot_general3A_43 {offsets = [1808, 0], sizes = [16, 576], strides = [1, 1]} : vector<2048x576xf32> to vector<16x576xf32>
      %sub3A_1741 = arith.subf %add3A_1739, %slice3A_1740 : vector<16x576xf32>
      %lt3A_1742 = arith.cmpf olt, %sub3A_1741, %select_n3A_1733 : vector<16x576xf32>
      %mul3A_1743 = arith.constant 128 : i32
      %mul3A_1744 = arith.muli %scan3A_31, %mul3A_1743 : i32
      %add3A_1745 = arith.constant 113 : i32
      %add3A_1746 = arith.addi %mul3A_1744, %add3A_1745 : i32
      %convert_element_type3A_1747 = arith.sitofp %add3A_1746 : i32 to f32
      %select_n3A_1748 = arith.select %lt3A_1742, %sub3A_1741, %select_n3A_1733 : vector<16x576xi1>, vector<16x576xf32>
      %broadcast_in_dim3A_1749 = vector.broadcast %convert_element_type3A_1747 : f32 to vector<16x576xf32>
      %select_n3A_1750 = arith.select %lt3A_1742, %broadcast_in_dim3A_1749, %select_n3A_1735 : vector<16x576xi1>, vector<16x576xf32>
      %slice3A_1751 = vector.extract_strided_slice %broadcast_in_dim3A_42 {offsets = [1824, 0], sizes = [16, 1], strides = [1, 1]} : vector<2048x1xf32> to vector<16x1xf32>
      %add3A_1752 = vector.broadcast %broadcast_in_dim3A : vector<1x576xf32> to vector<16x576xf32>
      %add3A_1753 = vector.broadcast %slice3A_1751 : vector<16x1xf32> to vector<16x576xf32>
      %add3A_1754 = arith.addf %add3A_1752, %add3A_1753 : vector<16x576xf32>
      %slice3A_1755 = vector.extract_strided_slice %dot_general3A_43 {offsets = [1824, 0], sizes = [16, 576], strides = [1, 1]} : vector<2048x576xf32> to vector<16x576xf32>
      %sub3A_1756 = arith.subf %add3A_1754, %slice3A_1755 : vector<16x576xf32>
      %lt3A_1757 = arith.cmpf olt, %sub3A_1756, %select_n3A_1748 : vector<16x576xf32>
      %mul3A_1758 = arith.constant 128 : i32
      %mul3A_1759 = arith.muli %scan3A_31, %mul3A_1758 : i32
      %add3A_1760 = arith.constant 114 : i32
      %add3A_1761 = arith.addi %mul3A_1759, %add3A_1760 : i32
      %convert_element_type3A_1762 = arith.sitofp %add3A_1761 : i32 to f32
      %select_n3A_1763 = arith.select %lt3A_1757, %sub3A_1756, %select_n3A_1748 : vector<16x576xi1>, vector<16x576xf32>
      %broadcast_in_dim3A_1764 = vector.broadcast %convert_element_type3A_1762 : f32 to vector<16x576xf32>
      %select_n3A_1765 = arith.select %lt3A_1757, %broadcast_in_dim3A_1764, %select_n3A_1750 : vector<16x576xi1>, vector<16x576xf32>
      %slice3A_1766 = vector.extract_strided_slice %broadcast_in_dim3A_42 {offsets = [1840, 0], sizes = [16, 1], strides = [1, 1]} : vector<2048x1xf32> to vector<16x1xf32>
      %add3A_1767 = vector.broadcast %broadcast_in_dim3A : vector<1x576xf32> to vector<16x576xf32>
      %add3A_1768 = vector.broadcast %slice3A_1766 : vector<16x1xf32> to vector<16x576xf32>
      %add3A_1769 = arith.addf %add3A_1767, %add3A_1768 : vector<16x576xf32>
      %slice3A_1770 = vector.extract_strided_slice %dot_general3A_43 {offsets = [1840, 0], sizes = [16, 576], strides = [1, 1]} : vector<2048x576xf32> to vector<16x576xf32>
      %sub3A_1771 = arith.subf %add3A_1769, %slice3A_1770 : vector<16x576xf32>
      %lt3A_1772 = arith.cmpf olt, %sub3A_1771, %select_n3A_1763 : vector<16x576xf32>
      %mul3A_1773 = arith.constant 128 : i32
      %mul3A_1774 = arith.muli %scan3A_31, %mul3A_1773 : i32
      %add3A_1775 = arith.constant 115 : i32
      %add3A_1776 = arith.addi %mul3A_1774, %add3A_1775 : i32
      %convert_element_type3A_1777 = arith.sitofp %add3A_1776 : i32 to f32
      %select_n3A_1778 = arith.select %lt3A_1772, %sub3A_1771, %select_n3A_1763 : vector<16x576xi1>, vector<16x576xf32>
      %broadcast_in_dim3A_1779 = vector.broadcast %convert_element_type3A_1777 : f32 to vector<16x576xf32>
      %select_n3A_1780 = arith.select %lt3A_1772, %broadcast_in_dim3A_1779, %select_n3A_1765 : vector<16x576xi1>, vector<16x576xf32>
      %slice3A_1781 = vector.extract_strided_slice %broadcast_in_dim3A_42 {offsets = [1856, 0], sizes = [16, 1], strides = [1, 1]} : vector<2048x1xf32> to vector<16x1xf32>
      %add3A_1782 = vector.broadcast %broadcast_in_dim3A : vector<1x576xf32> to vector<16x576xf32>
      %add3A_1783 = vector.broadcast %slice3A_1781 : vector<16x1xf32> to vector<16x576xf32>
      %add3A_1784 = arith.addf %add3A_1782, %add3A_1783 : vector<16x576xf32>
      %slice3A_1785 = vector.extract_strided_slice %dot_general3A_43 {offsets = [1856, 0], sizes = [16, 576], strides = [1, 1]} : vector<2048x576xf32> to vector<16x576xf32>
      %sub3A_1786 = arith.subf %add3A_1784, %slice3A_1785 : vector<16x576xf32>
      %lt3A_1787 = arith.cmpf olt, %sub3A_1786, %select_n3A_1778 : vector<16x576xf32>
      %mul3A_1788 = arith.constant 128 : i32
      %mul3A_1789 = arith.muli %scan3A_31, %mul3A_1788 : i32
      %add3A_1790 = arith.constant 116 : i32
      %add3A_1791 = arith.addi %mul3A_1789, %add3A_1790 : i32
      %convert_element_type3A_1792 = arith.sitofp %add3A_1791 : i32 to f32
      %select_n3A_1793 = arith.select %lt3A_1787, %sub3A_1786, %select_n3A_1778 : vector<16x576xi1>, vector<16x576xf32>
      %broadcast_in_dim3A_1794 = vector.broadcast %convert_element_type3A_1792 : f32 to vector<16x576xf32>
      %select_n3A_1795 = arith.select %lt3A_1787, %broadcast_in_dim3A_1794, %select_n3A_1780 : vector<16x576xi1>, vector<16x576xf32>
      %slice3A_1796 = vector.extract_strided_slice %broadcast_in_dim3A_42 {offsets = [1872, 0], sizes = [16, 1], strides = [1, 1]} : vector<2048x1xf32> to vector<16x1xf32>
      %add3A_1797 = vector.broadcast %broadcast_in_dim3A : vector<1x576xf32> to vector<16x576xf32>
      %add3A_1798 = vector.broadcast %slice3A_1796 : vector<16x1xf32> to vector<16x576xf32>
      %add3A_1799 = arith.addf %add3A_1797, %add3A_1798 : vector<16x576xf32>
      %slice3A_1800 = vector.extract_strided_slice %dot_general3A_43 {offsets = [1872, 0], sizes = [16, 576], strides = [1, 1]} : vector<2048x576xf32> to vector<16x576xf32>
      %sub3A_1801 = arith.subf %add3A_1799, %slice3A_1800 : vector<16x576xf32>
      %lt3A_1802 = arith.cmpf olt, %sub3A_1801, %select_n3A_1793 : vector<16x576xf32>
      %mul3A_1803 = arith.constant 128 : i32
      %mul3A_1804 = arith.muli %scan3A_31, %mul3A_1803 : i32
      %add3A_1805 = arith.constant 117 : i32
      %add3A_1806 = arith.addi %mul3A_1804, %add3A_1805 : i32
      %convert_element_type3A_1807 = arith.sitofp %add3A_1806 : i32 to f32
      %select_n3A_1808 = arith.select %lt3A_1802, %sub3A_1801, %select_n3A_1793 : vector<16x576xi1>, vector<16x576xf32>
      %broadcast_in_dim3A_1809 = vector.broadcast %convert_element_type3A_1807 : f32 to vector<16x576xf32>
      %select_n3A_1810 = arith.select %lt3A_1802, %broadcast_in_dim3A_1809, %select_n3A_1795 : vector<16x576xi1>, vector<16x576xf32>
      %slice3A_1811 = vector.extract_strided_slice %broadcast_in_dim3A_42 {offsets = [1888, 0], sizes = [16, 1], strides = [1, 1]} : vector<2048x1xf32> to vector<16x1xf32>
      %add3A_1812 = vector.broadcast %broadcast_in_dim3A : vector<1x576xf32> to vector<16x576xf32>
      %add3A_1813 = vector.broadcast %slice3A_1811 : vector<16x1xf32> to vector<16x576xf32>
      %add3A_1814 = arith.addf %add3A_1812, %add3A_1813 : vector<16x576xf32>
      %slice3A_1815 = vector.extract_strided_slice %dot_general3A_43 {offsets = [1888, 0], sizes = [16, 576], strides = [1, 1]} : vector<2048x576xf32> to vector<16x576xf32>
      %sub3A_1816 = arith.subf %add3A_1814, %slice3A_1815 : vector<16x576xf32>
      %lt3A_1817 = arith.cmpf olt, %sub3A_1816, %select_n3A_1808 : vector<16x576xf32>
      %mul3A_1818 = arith.constant 128 : i32
      %mul3A_1819 = arith.muli %scan3A_31, %mul3A_1818 : i32
      %add3A_1820 = arith.constant 118 : i32
      %add3A_1821 = arith.addi %mul3A_1819, %add3A_1820 : i32
      %convert_element_type3A_1822 = arith.sitofp %add3A_1821 : i32 to f32
      %select_n3A_1823 = arith.select %lt3A_1817, %sub3A_1816, %select_n3A_1808 : vector<16x576xi1>, vector<16x576xf32>
      %broadcast_in_dim3A_1824 = vector.broadcast %convert_element_type3A_1822 : f32 to vector<16x576xf32>
      %select_n3A_1825 = arith.select %lt3A_1817, %broadcast_in_dim3A_1824, %select_n3A_1810 : vector<16x576xi1>, vector<16x576xf32>
      %slice3A_1826 = vector.extract_strided_slice %broadcast_in_dim3A_42 {offsets = [1904, 0], sizes = [16, 1], strides = [1, 1]} : vector<2048x1xf32> to vector<16x1xf32>
      %add3A_1827 = vector.broadcast %broadcast_in_dim3A : vector<1x576xf32> to vector<16x576xf32>
      %add3A_1828 = vector.broadcast %slice3A_1826 : vector<16x1xf32> to vector<16x576xf32>
      %add3A_1829 = arith.addf %add3A_1827, %add3A_1828 : vector<16x576xf32>
      %slice3A_1830 = vector.extract_strided_slice %dot_general3A_43 {offsets = [1904, 0], sizes = [16, 576], strides = [1, 1]} : vector<2048x576xf32> to vector<16x576xf32>
      %sub3A_1831 = arith.subf %add3A_1829, %slice3A_1830 : vector<16x576xf32>
      %lt3A_1832 = arith.cmpf olt, %sub3A_1831, %select_n3A_1823 : vector<16x576xf32>
      %mul3A_1833 = arith.constant 128 : i32
      %mul3A_1834 = arith.muli %scan3A_31, %mul3A_1833 : i32
      %add3A_1835 = arith.constant 119 : i32
      %add3A_1836 = arith.addi %mul3A_1834, %add3A_1835 : i32
      %convert_element_type3A_1837 = arith.sitofp %add3A_1836 : i32 to f32
      %select_n3A_1838 = arith.select %lt3A_1832, %sub3A_1831, %select_n3A_1823 : vector<16x576xi1>, vector<16x576xf32>
      %broadcast_in_dim3A_1839 = vector.broadcast %convert_element_type3A_1837 : f32 to vector<16x576xf32>
      %select_n3A_1840 = arith.select %lt3A_1832, %broadcast_in_dim3A_1839, %select_n3A_1825 : vector<16x576xi1>, vector<16x576xf32>
      %slice3A_1841 = vector.extract_strided_slice %broadcast_in_dim3A_42 {offsets = [1920, 0], sizes = [16, 1], strides = [1, 1]} : vector<2048x1xf32> to vector<16x1xf32>
      %add3A_1842 = vector.broadcast %broadcast_in_dim3A : vector<1x576xf32> to vector<16x576xf32>
      %add3A_1843 = vector.broadcast %slice3A_1841 : vector<16x1xf32> to vector<16x576xf32>
      %add3A_1844 = arith.addf %add3A_1842, %add3A_1843 : vector<16x576xf32>
      %slice3A_1845 = vector.extract_strided_slice %dot_general3A_43 {offsets = [1920, 0], sizes = [16, 576], strides = [1, 1]} : vector<2048x576xf32> to vector<16x576xf32>
      %sub3A_1846 = arith.subf %add3A_1844, %slice3A_1845 : vector<16x576xf32>
      %lt3A_1847 = arith.cmpf olt, %sub3A_1846, %select_n3A_1838 : vector<16x576xf32>
      %mul3A_1848 = arith.constant 128 : i32
      %mul3A_1849 = arith.muli %scan3A_31, %mul3A_1848 : i32
      %add3A_1850 = arith.constant 120 : i32
      %add3A_1851 = arith.addi %mul3A_1849, %add3A_1850 : i32
      %convert_element_type3A_1852 = arith.sitofp %add3A_1851 : i32 to f32
      %select_n3A_1853 = arith.select %lt3A_1847, %sub3A_1846, %select_n3A_1838 : vector<16x576xi1>, vector<16x576xf32>
      %broadcast_in_dim3A_1854 = vector.broadcast %convert_element_type3A_1852 : f32 to vector<16x576xf32>
      %select_n3A_1855 = arith.select %lt3A_1847, %broadcast_in_dim3A_1854, %select_n3A_1840 : vector<16x576xi1>, vector<16x576xf32>
      %slice3A_1856 = vector.extract_strided_slice %broadcast_in_dim3A_42 {offsets = [1936, 0], sizes = [16, 1], strides = [1, 1]} : vector<2048x1xf32> to vector<16x1xf32>
      %add3A_1857 = vector.broadcast %broadcast_in_dim3A : vector<1x576xf32> to vector<16x576xf32>
      %add3A_1858 = vector.broadcast %slice3A_1856 : vector<16x1xf32> to vector<16x576xf32>
      %add3A_1859 = arith.addf %add3A_1857, %add3A_1858 : vector<16x576xf32>
      %slice3A_1860 = vector.extract_strided_slice %dot_general3A_43 {offsets = [1936, 0], sizes = [16, 576], strides = [1, 1]} : vector<2048x576xf32> to vector<16x576xf32>
      %sub3A_1861 = arith.subf %add3A_1859, %slice3A_1860 : vector<16x576xf32>
      %lt3A_1862 = arith.cmpf olt, %sub3A_1861, %select_n3A_1853 : vector<16x576xf32>
      %mul3A_1863 = arith.constant 128 : i32
      %mul3A_1864 = arith.muli %scan3A_31, %mul3A_1863 : i32
      %add3A_1865 = arith.constant 121 : i32
      %add3A_1866 = arith.addi %mul3A_1864, %add3A_1865 : i32
      %convert_element_type3A_1867 = arith.sitofp %add3A_1866 : i32 to f32
      %select_n3A_1868 = arith.select %lt3A_1862, %sub3A_1861, %select_n3A_1853 : vector<16x576xi1>, vector<16x576xf32>
      %broadcast_in_dim3A_1869 = vector.broadcast %convert_element_type3A_1867 : f32 to vector<16x576xf32>
      %select_n3A_1870 = arith.select %lt3A_1862, %broadcast_in_dim3A_1869, %select_n3A_1855 : vector<16x576xi1>, vector<16x576xf32>
      %slice3A_1871 = vector.extract_strided_slice %broadcast_in_dim3A_42 {offsets = [1952, 0], sizes = [16, 1], strides = [1, 1]} : vector<2048x1xf32> to vector<16x1xf32>
      %add3A_1872 = vector.broadcast %broadcast_in_dim3A : vector<1x576xf32> to vector<16x576xf32>
      %add3A_1873 = vector.broadcast %slice3A_1871 : vector<16x1xf32> to vector<16x576xf32>
      %add3A_1874 = arith.addf %add3A_1872, %add3A_1873 : vector<16x576xf32>
      %slice3A_1875 = vector.extract_strided_slice %dot_general3A_43 {offsets = [1952, 0], sizes = [16, 576], strides = [1, 1]} : vector<2048x576xf32> to vector<16x576xf32>
      %sub3A_1876 = arith.subf %add3A_1874, %slice3A_1875 : vector<16x576xf32>
      %lt3A_1877 = arith.cmpf olt, %sub3A_1876, %select_n3A_1868 : vector<16x576xf32>
      %mul3A_1878 = arith.constant 128 : i32
      %mul3A_1879 = arith.muli %scan3A_31, %mul3A_1878 : i32
      %add3A_1880 = arith.constant 122 : i32
      %add3A_1881 = arith.addi %mul3A_1879, %add3A_1880 : i32
      %convert_element_type3A_1882 = arith.sitofp %add3A_1881 : i32 to f32
      %select_n3A_1883 = arith.select %lt3A_1877, %sub3A_1876, %select_n3A_1868 : vector<16x576xi1>, vector<16x576xf32>
      %broadcast_in_dim3A_1884 = vector.broadcast %convert_element_type3A_1882 : f32 to vector<16x576xf32>
      %select_n3A_1885 = arith.select %lt3A_1877, %broadcast_in_dim3A_1884, %select_n3A_1870 : vector<16x576xi1>, vector<16x576xf32>
      %slice3A_1886 = vector.extract_strided_slice %broadcast_in_dim3A_42 {offsets = [1968, 0], sizes = [16, 1], strides = [1, 1]} : vector<2048x1xf32> to vector<16x1xf32>
      %add3A_1887 = vector.broadcast %broadcast_in_dim3A : vector<1x576xf32> to vector<16x576xf32>
      %add3A_1888 = vector.broadcast %slice3A_1886 : vector<16x1xf32> to vector<16x576xf32>
      %add3A_1889 = arith.addf %add3A_1887, %add3A_1888 : vector<16x576xf32>
      %slice3A_1890 = vector.extract_strided_slice %dot_general3A_43 {offsets = [1968, 0], sizes = [16, 576], strides = [1, 1]} : vector<2048x576xf32> to vector<16x576xf32>
      %sub3A_1891 = arith.subf %add3A_1889, %slice3A_1890 : vector<16x576xf32>
      %lt3A_1892 = arith.cmpf olt, %sub3A_1891, %select_n3A_1883 : vector<16x576xf32>
      %mul3A_1893 = arith.constant 128 : i32
      %mul3A_1894 = arith.muli %scan3A_31, %mul3A_1893 : i32
      %add3A_1895 = arith.constant 123 : i32
      %add3A_1896 = arith.addi %mul3A_1894, %add3A_1895 : i32
      %convert_element_type3A_1897 = arith.sitofp %add3A_1896 : i32 to f32
      %select_n3A_1898 = arith.select %lt3A_1892, %sub3A_1891, %select_n3A_1883 : vector<16x576xi1>, vector<16x576xf32>
      %broadcast_in_dim3A_1899 = vector.broadcast %convert_element_type3A_1897 : f32 to vector<16x576xf32>
      %select_n3A_1900 = arith.select %lt3A_1892, %broadcast_in_dim3A_1899, %select_n3A_1885 : vector<16x576xi1>, vector<16x576xf32>
      %slice3A_1901 = vector.extract_strided_slice %broadcast_in_dim3A_42 {offsets = [1984, 0], sizes = [16, 1], strides = [1, 1]} : vector<2048x1xf32> to vector<16x1xf32>
      %add3A_1902 = vector.broadcast %broadcast_in_dim3A : vector<1x576xf32> to vector<16x576xf32>
      %add3A_1903 = vector.broadcast %slice3A_1901 : vector<16x1xf32> to vector<16x576xf32>
      %add3A_1904 = arith.addf %add3A_1902, %add3A_1903 : vector<16x576xf32>
      %slice3A_1905 = vector.extract_strided_slice %dot_general3A_43 {offsets = [1984, 0], sizes = [16, 576], strides = [1, 1]} : vector<2048x576xf32> to vector<16x576xf32>
      %sub3A_1906 = arith.subf %add3A_1904, %slice3A_1905 : vector<16x576xf32>
      %lt3A_1907 = arith.cmpf olt, %sub3A_1906, %select_n3A_1898 : vector<16x576xf32>
      %mul3A_1908 = arith.constant 128 : i32
      %mul3A_1909 = arith.muli %scan3A_31, %mul3A_1908 : i32
      %add3A_1910 = arith.constant 124 : i32
      %add3A_1911 = arith.addi %mul3A_1909, %add3A_1910 : i32
      %convert_element_type3A_1912 = arith.sitofp %add3A_1911 : i32 to f32
      %select_n3A_1913 = arith.select %lt3A_1907, %sub3A_1906, %select_n3A_1898 : vector<16x576xi1>, vector<16x576xf32>
      %broadcast_in_dim3A_1914 = vector.broadcast %convert_element_type3A_1912 : f32 to vector<16x576xf32>
      %select_n3A_1915 = arith.select %lt3A_1907, %broadcast_in_dim3A_1914, %select_n3A_1900 : vector<16x576xi1>, vector<16x576xf32>
      %slice3A_1916 = vector.extract_strided_slice %broadcast_in_dim3A_42 {offsets = [2000, 0], sizes = [16, 1], strides = [1, 1]} : vector<2048x1xf32> to vector<16x1xf32>
      %add3A_1917 = vector.broadcast %broadcast_in_dim3A : vector<1x576xf32> to vector<16x576xf32>
      %add3A_1918 = vector.broadcast %slice3A_1916 : vector<16x1xf32> to vector<16x576xf32>
      %add3A_1919 = arith.addf %add3A_1917, %add3A_1918 : vector<16x576xf32>
      %slice3A_1920 = vector.extract_strided_slice %dot_general3A_43 {offsets = [2000, 0], sizes = [16, 576], strides = [1, 1]} : vector<2048x576xf32> to vector<16x576xf32>
      %sub3A_1921 = arith.subf %add3A_1919, %slice3A_1920 : vector<16x576xf32>
      %lt3A_1922 = arith.cmpf olt, %sub3A_1921, %select_n3A_1913 : vector<16x576xf32>
      %mul3A_1923 = arith.constant 128 : i32
      %mul3A_1924 = arith.muli %scan3A_31, %mul3A_1923 : i32
      %add3A_1925 = arith.constant 125 : i32
      %add3A_1926 = arith.addi %mul3A_1924, %add3A_1925 : i32
      %convert_element_type3A_1927 = arith.sitofp %add3A_1926 : i32 to f32
      %select_n3A_1928 = arith.select %lt3A_1922, %sub3A_1921, %select_n3A_1913 : vector<16x576xi1>, vector<16x576xf32>
      %broadcast_in_dim3A_1929 = vector.broadcast %convert_element_type3A_1927 : f32 to vector<16x576xf32>
      %select_n3A_1930 = arith.select %lt3A_1922, %broadcast_in_dim3A_1929, %select_n3A_1915 : vector<16x576xi1>, vector<16x576xf32>
      %slice3A_1931 = vector.extract_strided_slice %broadcast_in_dim3A_42 {offsets = [2016, 0], sizes = [16, 1], strides = [1, 1]} : vector<2048x1xf32> to vector<16x1xf32>
      %add3A_1932 = vector.broadcast %broadcast_in_dim3A : vector<1x576xf32> to vector<16x576xf32>
      %add3A_1933 = vector.broadcast %slice3A_1931 : vector<16x1xf32> to vector<16x576xf32>
      %add3A_1934 = arith.addf %add3A_1932, %add3A_1933 : vector<16x576xf32>
      %slice3A_1935 = vector.extract_strided_slice %dot_general3A_43 {offsets = [2016, 0], sizes = [16, 576], strides = [1, 1]} : vector<2048x576xf32> to vector<16x576xf32>
      %sub3A_1936 = arith.subf %add3A_1934, %slice3A_1935 : vector<16x576xf32>
      %lt3A_1937 = arith.cmpf olt, %sub3A_1936, %select_n3A_1928 : vector<16x576xf32>
      %mul3A_1938 = arith.constant 128 : i32
      %mul3A_1939 = arith.muli %scan3A_31, %mul3A_1938 : i32
      %add3A_1940 = arith.constant 126 : i32
      %add3A_1941 = arith.addi %mul3A_1939, %add3A_1940 : i32
      %convert_element_type3A_1942 = arith.sitofp %add3A_1941 : i32 to f32
      %select_n3A_1943 = arith.select %lt3A_1937, %sub3A_1936, %select_n3A_1928 : vector<16x576xi1>, vector<16x576xf32>
      %broadcast_in_dim3A_1944 = vector.broadcast %convert_element_type3A_1942 : f32 to vector<16x576xf32>
      %select_n3A_1945 = arith.select %lt3A_1937, %broadcast_in_dim3A_1944, %select_n3A_1930 : vector<16x576xi1>, vector<16x576xf32>
      %slice3A_1946 = vector.extract_strided_slice %broadcast_in_dim3A_42 {offsets = [2032, 0], sizes = [16, 1], strides = [1, 1]} : vector<2048x1xf32> to vector<16x1xf32>
      %add3A_1947 = vector.broadcast %broadcast_in_dim3A : vector<1x576xf32> to vector<16x576xf32>
      %add3A_1948 = vector.broadcast %slice3A_1946 : vector<16x1xf32> to vector<16x576xf32>
      %add3A_1949 = arith.addf %add3A_1947, %add3A_1948 : vector<16x576xf32>
      %slice3A_1950 = vector.extract_strided_slice %dot_general3A_43 {offsets = [2032, 0], sizes = [16, 576], strides = [1, 1]} : vector<2048x576xf32> to vector<16x576xf32>
      %sub3A_1951 = arith.subf %add3A_1949, %slice3A_1950 : vector<16x576xf32>
      %lt3A_1952 = arith.cmpf olt, %sub3A_1951, %select_n3A_1943 : vector<16x576xf32>
      %mul3A_1953 = arith.constant 128 : i32
      %mul3A_1954 = arith.muli %scan3A_31, %mul3A_1953 : i32
      %add3A_1955 = arith.constant 127 : i32
      %add3A_1956 = arith.addi %mul3A_1954, %add3A_1955 : i32
      %convert_element_type3A_1957 = arith.sitofp %add3A_1956 : i32 to f32
      %select_n3A_1958 = arith.select %lt3A_1952, %sub3A_1951, %select_n3A_1943 : vector<16x576xi1>, vector<16x576xf32>
      %broadcast_in_dim3A_1959 = vector.broadcast %convert_element_type3A_1957 : f32 to vector<16x576xf32>
      %select_n3A_1960 = arith.select %lt3A_1952, %broadcast_in_dim3A_1959, %select_n3A_1945 : vector<16x576xi1>, vector<16x576xf32>
      scf.yield %select_n3A_1958, %select_n3A_1960 : vector<16x576xf32>, vector<16x576xf32>
    }
    %scan3A_13 = arith.constant 4 : i32
    %reduce_min3A = arith.constant dense<0x7F800000> : vector<576xf32>
    %reduce_min3A_14 = vector.multi_reduction <minimumf>, %scan3A_12#0, %reduce_min3A [0] : vector<16x576xf32> to vector<576xf32>
    %broadcast_in_dim3A_15 = vector.shape_cast %reduce_min3A_14 : vector<576xf32> to vector<1x576xf32>
    %iota3A = tpu.iota {dimensions = array<i32: 0>} : vector<16x576xi32>
    %convert_element_type3A = arith.sitofp %iota3A : vector<16x576xi32> to vector<16x576xf32>
    %mul3A_16 = arith.constant 1.600000e+01 : f32
    %mul3A_17 = vector.broadcast %mul3A_16 : f32 to vector<16x576xf32>
    %mul3A_18 = arith.mulf %scan3A_12#1, %mul3A_17 : vector<16x576xf32>
    %add3A_19 = arith.addf %mul3A_18, %convert_element_type3A : vector<16x576xf32>
    %eq3A = vector.broadcast %broadcast_in_dim3A_15 : vector<1x576xf32> to vector<16x576xf32>
    %eq3A_20 = arith.cmpf oeq, %scan3A_12#0, %eq3A : vector<16x576xf32>
    %jit3A = arith.constant 1.07374182E+9 : f32
    %broadcast_in_dim3A_21 = vector.broadcast %jit3A : f32 to vector<16x576xf32>
    %select_n3A = arith.select %eq3A_20, %add3A_19, %broadcast_in_dim3A_21 : vector<16x576xi1>, vector<16x576xf32>
    %reduce_min3A_22 = arith.constant dense<0x7F800000> : vector<576xf32>
    %reduce_min3A_23 = vector.multi_reduction <minimumf>, %select_n3A, %reduce_min3A_22 [0] : vector<16x576xf32> to vector<576xf32>
    %broadcast_in_dim3A_24 = vector.shape_cast %reduce_min3A_23 : vector<576xf32> to vector<1x576xf32>
    %convert_element_type3A_25 = arith.fptosi %broadcast_in_dim3A_24 : vector<1x576xf32> to vector<1x576xi32>
    %swap3A = arith.constant 0 : index
    %swap3A_26 = arith.constant 0 : index
    %swap3A_27 = arith.constant 0 : index
    %swap3A_28 = vector.load %arg3[%swap3A, %swap3A_26, %swap3A_27] : memref<1x1x576xi32, #tpu.memory_space<vmem>>, vector<1x1x576xi32>
    %swap3A_29 = vector.shape_cast %swap3A_28 : vector<1x1x576xi32> to vector<1x576xi32>
    %swap3A_30 = vector.shape_cast %convert_element_type3A_25 : vector<1x576xi32> to vector<1x1x576xi32>
    tpu.vector_store %arg3[%swap3A, %swap3A_26, %swap3A_27], %swap3A_30 {strides = array<i32>} : memref<1x1x576xi32, #tpu.memory_space<vmem>>, vector<1x1x576xi32>,
    return
  }
  func.func @transform_0(%arg0: i32) -> (i32, i32, i32) {
    %c0_i32 = arith.constant 0 : i32
    %c0_i32_0 = arith.constant 0 : i32
    %c0_i32_1 = arith.constant 0 : i32
    return %arg0, %c0_i32, %c0_i32_0 : i32, i32, i32
  }
  func.func @transform_1(%arg0: i32) -> (i32, i32) {
    %c0_i32 = arith.constant 0 : i32
    %c0_i32_0 = arith.constant 0 : i32
    %c0_i32_1 = arith.constant 0 : i32
    return %c0_i32, %c0_i32_0 : i32, i32
  }
  func.func @transform_2(%arg0: i32) -> (i32, i32, i32) {
    %c0_i32 = arith.constant 0 : i32
    %c0_i32_0 = arith.constant 0 : i32
    %c0_i32_1 = arith.constant 0 : i32
    return %arg0, %c0_i32, %c0_i32_0 : i32, i32, i32
  }
}

</mosaic_0001>

<sc_bundles>
// kernel: kernel.4.cloned.1.call-start
scs
__scs_entry_jumppad:
0x0: {  	(pc) =	sbr.rel $0x88, $3  }
0x1: {  	(tag) =	ssettag $0x0;
	lr =	simm.s32 $0x1  }
0x2: {  	[smem:$0x3F9F] =	sst lr;
	_ =	strace $0xD0000000  }
0x3: {  	_ = 	snop  }
0x4: {  	_ = 	snop  }
0x5: {  	_ = 	snop  }
0x6: {  	_ = 	snop  }
0x7: {  	_ = 	snop  }
__scs_overlays_trampoline_lowered:
0x8: {  	[smem:$0x3FAE] =	sst s0  }
0x9: {  	[smem:$0x3FAF] =	sst s1  }
0xa: {  	[smem:$0x3FB0] =	sst s2  }
0xb: {  	[smem:$0x3FB1] =	sst s3  }
0xc: {  	[smem:$0x3FB2] =	sst s4  }
0xd: {  	[smem:$0x3FB3] =	sst s5  }
0xe: {  	[smem:$0x3FB4] =	sst s6  }
0xf: {  	[smem:$0x3FB5] =	sst s7  }
0x10: {  	[smem:$0x3FB6] =	sst s8  }
0x11: {  	[smem:$0x3FB7] =	sst s9;
	s0 =	simm.s32 @!p0 $0x0  }
0x12: {  	s1 =	sld [smem:$0x3F9D];
	s0 =	simm.s32 @p0 $0x1  }
0x13: {  	[smem:$0x3FB8] =	sst s0;
	s0 =	simm.s32 @!p1 $0x0  }
0x14: {  	s2 =	sld [smem:$0x3F9C];
	s0 =	simm.s32 @p1 $0x1  }
0x15: {  	[smem:$0x3FB9] =	sst s0;
	s0 =	simm.s32 @!p2 $0x0  }
0x16: {  	s3 =	sld [smem:$0x3FDB];
	s0 =	simm.s32 @p2 $0x1  }
0x17: {  	s4 =	simm.s32 $0x1BF5;
	[smem:$0x3FBB] =	sst s0  }
0x18: {  	s0 =	sld [smem:$0x3F9E];
	_ =	swait.ge [sflag:s4], $0x0  }
0x19: {  	s7 =	sld [smem:$0x3F9F]  }
0x1a: {  	s8 =	sadd.s32 $0xFFFFE003, lr  }
0x1b: {  	s9 =	sadd.s32 $0xFFFFFEF7, lr;
	s5 =	simm.s32 $0xFFFFFFFF;
	p2 =	slt.u32 s8, $0xFFFFF086  }
0x1c: {  	p1 =	slt.u32 s9, $0xF7A;
	s5 =	simm.s32 @!p2 $0x0  }
0x1d: {  	s5 =	simm.s32 @p1 $0x1;
	p0 =	seq.s32 s7, s2  }
0x1e: {  	s7 =	smul.u32 @!p0 $0xF7A, s2;
	p2 =	seq.s32 @!p0 s5, $0x0  }
0x1f: {  	s9 =	smul.u32 $0xF7A, s1;
	s8 =	simm.s32 @!p0 $0x1BF5;
	p2 =	por !p2, p0  }
0x20: {  	[sflag:s8] =	ssyncset.s32 @!p0 $0xFFFFF086;
	s6 =	sadd.s32 @!p0 s3, s7;
	s7 =	simm.s32 @!p0 $0x108  }
0x21: {  	s3 =	sadd.s32 s3, s9;
	s6 =	sadd.s32 @!p0 $0x88, s6;
	s7 =	simm.s32 @p2 $0x1082  }
0x22: {  	[simem:s7], [sflag:s8] =	dma.local @!p0 [hbm:s6], $0xF7A  }
0x23: {  	s9 =	sor.u32 $0xD0000000, s2;
	s6 =	simm.s32 $0x108;
	_ =	swait.ge @!p0 [sflag:s8], $0x0  }
0x24: {  	s3 =	sadd.s32 $0x88, s3;
	s6 =	simm.s32 @!p1 $0x1082;
	[sflag:s4] =	ssyncset.s32 $0xFFFFF086  }
0x25: {  	[simem:s6], [sflag:s4] =	dma.local [hbm:s3], $0xF7A  }
0x26: {  	[smem:$0x3F9F] =	sst s1;
	(tag) =	ssettag s2;
	_ =	strace s9  }
0x27: {  	s1 =	sld [smem:$0x3FAF]  }
0x28: {  	s2 =	sld [smem:$0x3FB0]  }
0x29: {  	s4 =	sld [smem:$0x3FB2]  }
0x2a: {  	p0 =	seq.s32 s5, $0x0;
	s5 =	sld [smem:$0x3FB3]  }
0x2b: {  	s6 =	sld [smem:$0x3FB4]  }
0x2c: {  	s7 =	sld [smem:$0x3FB5]  }
0x2d: {  	s3 =	simm.s32 $0x108;
	s8 =	sld [smem:$0x3FB6]  }
0x2e: {  	s3 =	simm.s32 @!p0 $0x1082;
	s9 =	sld [smem:$0x3FB7]  }
0x2f: {  	lr =	sadd.s32 s0, s3;
	s0 =	sld [smem:$0x3FAE]  }
0x30: {  	s3 =	sld [smem:$0x3FB1]  }
0x31: {  	[smem:$0x3FBA] =	sst s10  }
0x32: {  	s10 =	sld [smem:$0x3FB8];
	_ =	sdelay $0x3  }
0x33: {  	p0 =	seq.s32 s10, $0x1;
	s10 =	sld [smem:$0x3FBA];
	_ =	sdelay $0x3  }
0x34: {  	[smem:$0x3FBA] =	sst s10  }
0x35: {  	s10 =	sld [smem:$0x3FB9];
	_ =	sdelay $0x3  }
0x36: {  	p1 =	seq.s32 s10, $0x1;
	s10 =	sld [smem:$0x3FBA];
	_ =	sdelay $0x3  }
0x37: {  	[smem:$0x3FBA] =	sst s10  }
0x38: {  	s10 =	sld [smem:$0x3FBB]  }
0x39: {  	_ = 	snop;
	(pc) =	sbr.ind lr, $3  }
0x3a: {  	_ = 	snop  }
0x3b: {  	_ = 	snop  }
0x3c: {  	p2 =	seq.s32 s10, $0x1;
	s10 =	sld [smem:$0x3FBA]  }
0x3d: {  	_ =	shalt  }
0x3e: {  	_ =	shalt  }
0x3f: {  	_ =	shalt  }
0x40: {  	_ =	shalt  }
0x41: {  	_ =	shalt  }
0x42: {  	_ =	shalt  }
0x43: {  	_ =	shalt  }
0x44: {  	_ =	shalt  }
0x45: {  	_ =	shalt  }
0x46: {  	_ =	shalt  }
0x47: {  	_ =	shalt  }
0x48: {  	_ =	shalt  }
0x49: {  	_ =	shalt  }
0x4a: {  	_ =	shalt  }
0x4b: {  	_ =	shalt  }
0x4c: {  	_ =	shalt  }
0x4d: {  	_ =	shalt  }
0x4e: {  	_ =	shalt  }
0x4f: {  	_ =	shalt  }
0x50: {  	_ =	shalt  }
0x51: {  	_ =	shalt  }
0x52: {  	_ =	shalt  }
0x53: {  	_ =	shalt  }
0x54: {  	_ =	shalt  }
0x55: {  	_ =	shalt  }
0x56: {  	_ =	shalt  }
0x57: {  	_ =	shalt  }
0x58: {  	_ =	shalt  }
0x59: {  	_ =	shalt  }
0x5a: {  	_ =	shalt  }
0x5b: {  	_ =	shalt  }
0x5c: {  	_ =	shalt  }
0x5d: {  	_ =	shalt  }
0x5e: {  	_ =	shalt  }
0x5f: {  	_ =	shalt  }
0x60: {  	_ =	shalt  }
0x61: {  	_ =	shalt  }
0x62: {  	_ =	shalt  }
0x63: {  	_ =	shalt  }
0x64: {  	_ =	shalt  }
0x65: {  	_ =	shalt  }
0x66: {  	_ =	shalt  }
0x67: {  	_ =	shalt  }
0x68: {  	_ =	shalt  }
0x69: {  	_ =	shalt  }
0x6a: {  	_ =	shalt  }
0x6b: {  	_ =	shalt  }
0x6c: {  	_ =	shalt  }
0x6d: {  	_ =	shalt  }
0x6e: {  	_ =	shalt  }
0x6f: {  	_ =	shalt  }
0x70: {  	_ =	shalt  }
0x71: {  	_ =	shalt  }
0x72: {  	_ =	shalt  }
0x73: {  	_ =	shalt  }
0x74: {  	_ =	shalt  }
0x75: {  	_ =	shalt  }
0x76: {  	_ =	shalt  }
0x77: {  	_ =	shalt  }
0x78: {  	_ =	shalt  }
0x79: {  	_ =	shalt  }
0x7a: {  	_ =	shalt  }
0x7b: {  	_ =	shalt  }
0x7c: {  	_ =	shalt  }
0x7d: {  	_ =	shalt  }
0x7e: {  	_ =	shalt  }
0x7f: {  	_ =	shalt  }
0x80: {  	_ =	shalt  }
0x81: {  	_ =	shalt  }
0x82: {  	_ =	shalt  }
0x83: {  	_ =	shalt  }
0x84: {  	_ =	shalt  }
0x85: {  	_ =	shalt  }
0x86: {  	_ =	shalt  }
0x87: {  	_ =	shalt  }
.Lfunc_end0:
.L_simem_size_0:
called_computation_lowered:
.L_overlay_start_0:
0x88: {  	s2 =	sld [smem:$0x3FD9]  }
0x89: {  	s3 =	sld [smem:$0x3FFE];
	_ =	sdelay $0x1  }
0x8a: {  	s1 =	srdreg.scid  }
0x8b: {  	s0 =	sand.u32 $0x1, s1  }
0x8c: {  	s17 =	sshll.u32 s0, $0xA;
	s2 =	sadd.s32 s3, s2  }
0x8d: {  	s2 =	sadd.s32 s2, s17  }
0x8e: {  	[smem:$0x3FC6] =	sst s2  }
0x8f: {  	_ = 	snop  }
0x90: {  	s2 =	sld [smem:$0x3FC8]  }
0x91: {  	s18 =	sld [smem:$0x3FD0];
	(tm) =	ssettm $0x1  }
0x92: {  	s4 =	sld [smem:$0x3FFB];
	_ =	sdelay $0x3  }
0x93: {  	_ =	strace s4  }
0x94: {  	s4 =	sld [smem:$0x3FFC];
	_ =	sdelay $0x3  }
0x95: {  	_ =	strace s4  }
0x96: {  	s4 =	sld [smem:$0x3FFD];
	_ =	sdelay $0x3  }
0x97: {  	_ =	strace s4  }
0x98: {  	_ =	strace $0x8FFFFFFF  }
0x99: {  	s19 =	sld [smem:$0x3FDB];
	_ =	sdelay $0x1  }
0x9a: {  	s5 =	simm.s32 $_scs_section_size  }
0x9b: {  	s6 =	simm.s32 $_size__tile_overlayer_lowered;
	s7 =	simm.s32 $_tile_overlayer_lowered  }
0x9c: {  	s22 =	simm.s32 $0x1BFF;
	s21 =	sshll.u32 s7, $0x1;
	s4 =	sadd.s32 s5, s19  }
0x9d: {  	s8 =	simm.s32 $0x0;
	s20 =	sshll.u32 s6, $0x1;
	s6 =	sadd.s32 s21, s4  }
0x9e: {  	[timem:s8], [sflag:s22] =	dma.local [hbm:s6], s20  }
0x9f: {  	_ =	swait.ge [sflag:s22], s20  }
0xa0: {  	s5 =	ssub.s32 $0x0, s20;
	[sflag:s22] =	ssyncset.done $0x0  }
0xa1: {  	[sflag:s22] =	ssyncadd.s32 s5;
	_ =	sdelay $0x1  }
0xa2: {  	s23 =	simm.s32 $0x1B8B  }
0xa3: {  	_ =	swait.ge [sflag:s23], $0x1  }
0xa4: {  	[sflag:s23] =	ssyncset.done $0x0  }
0xa5: {  	s25 =	simm.s32 $0x1B8E;
	s24 =	sld [smem:$0x3FFE];
	[sflag:s23] =	ssyncadd.s32 $0xFFFFFFFF  }
0xa6: {  	s26 =	simm.s32 $execute0_lowered;
	[smem:$0x3FD2] =	sst s25  }
0xa7: {  	s6 =	sshll.u32 s26, $0x1;
	_ =	strace $0x80000046;
	[dreg:$0x1] =	wrdreg $0xFFFFFFFF  }
0xa8: {  	s28 =	simm.s32 $_size_execute0_lowered;
	s4 =	sadd.s32 s4, s6;
	[dreg:$0x0] =	wrdreg $0x0  }
0xa9: {  	s6 =	sshll.u32 s28, $0x1;
	[dreg:$0x2] =	wrdreg s4  }
0xaa: {  	[dreg:$0x3] =	wrdreg s6  }
0xab: {  	[dreg:$0x4] =	wrdreg $0xC0  }
0xac: {  	_ =	task [dreg:s8], $0x5FFFF  }
0xad: {  	[dreg:$0x1] =	wrdreg $0xFFFFFFFF  }
0xae: {  	[dreg:$0x0] =	wrdreg $0x60  }
0xaf: {  	[dreg:$0x2] =	wrdreg s2  }
0xb0: {  	[dreg:$0x3] =	wrdreg s24  }
0xb1: {  	[dreg:$0x4] =	wrdreg s18  }
0xb2: {  	[dreg:$0x5] =	wrdreg $0x9  }
0xb3: {  	_ =	task.clear_ibuf [dreg:s8], $0x6FFFF;
	_ =	strace $0x90000046  }
0xb4: {  	s29 =	simm.s32 $0x9;
	_ =	strace $0x80000048  }
0xb5: {  	_ =	swait.ge [sflag:s29], $0x1  }
0xb6: {  	[sflag:s29] =	ssyncadd.s32 $0xFFFFFFFF  }
0xb7: {  	_ =	strace $0x90000048  }
0xb8: {  	_ =	sfence  }
0xb9: {  	s30 =	sld [smem:$0x0];
	_ =	sdelay $0x2  }
0xba: {  	s31 =	sshll.u32 s1, $0xD;
	s1 =	sshrl.u32 s1, $0x2  }
0xbb: {  	s3 =	sand.u32 $0x4000, s31;
	s1 =	sadd.s32 s1, s30  }
0xbc: {  	s0 =	sor.u32 s3, s0;
	s1 =	sshll.u32 s1, $0x11  }
0xbd: {  	s0 =	sor.u32 s1, s0  }
0xbe: {  	s0 =	sadd.s32 $0x8F2B, s0  }
0xbf: {  	[sflag:s0] =	ssyncadd.remote.s32 $0x1  }
0xc0: {  	_ =	sfence.sel $0xFFFF  }
0xc1: {  	[dreg:$0x0] =	wrdreg $0xFFFFFFFF;
	(pc) =	sbr.abs _section_cstart, $3  }
0xc2: {  	[dreg:$0x1] =	wrdreg $0xFFFFFFFF  }
0xc3: {  	_ =	task.clear_ibuf [dreg:s8], $0x2FFFF;
	_ =	strace $0x9FFFFFFF  }
0xc4: {  	(tm) =	ssettm $0x7FFFFFFF  }
0xc5: {  	_ =	shalt  }
tec
execute0_lowered:
.L_overlay_start_1:
0x0: {  	(tag) =	ssettag $0x1  }
0x1: {  	s1 =	rddreg [dreg:$0x0]  }
0x2: {  	s2 =	srdreg.scid;
	s4 =	rddreg [dreg:$0x1]  }
0x3: {  	s0 =	stileid.u32;
	s6 =	rddreg [dreg:$0x2]  }
0x4: {  	s3 =	simm.s32 $0x0;
	s9 =	simm.s32 $0x900;
	s10 =	simm.s32 $0x1100  }
0x5: {  	s11 =	simm.s32 $0x1900;
	s12 =	simm.s32 $0x2100;
	s13 =	simm.s32 $0x2900  }
0x6: {  	s14 =	simm.s32 $0x3100;
	s15 =	simm.s32 $0x3900;
	s16 =	simm.s32 $0x4100  }
0x7: {  	s17 =	simm.s32 $0x4900;
	s18 =	simm.s32 $0x5100;
	s19 =	simm.s32 $0x5900  }
0x8: {  	s20 =	simm.s32 $0x6100;
	s21 =	simm.s32 $0x6900;
	s22 =	simm.s32 $0x7100  }
0x9: {  	s23 =	simm.s32 $0x7900;
	s5 =	sand.u32 $0x1, s2;
	s30 =	sshll.u32 s0, $0x1  }
0xa: {  	s24 =	simm.s32 $0x8100;
	s25 =	simm.s32 $0x8900;
	s7 =	sor.u32 s5, s30  }
0xb: {  	s26 =	simm.s32 $0x1;
	s2 =	rddreg [dreg:$0x3];
	s8 =	smul.u32 $0x12, s7  }
0xc: {  	[smem:$0x7FF] =	sst s3;
	s5 =	ssub.s32 $0x2, s5;
	s7 =	smul.u32 $0x1200, s7  }
0xd: {  	v2 =	vlaneseq.u32;
	_ =	strace $0x80000047;
	s31 =	sshrl.u32 s5, $0x1;
	s4 =	sadd.s32 s8, s4  }
0xe: {  	vm0 =	vmmov $0xffff;
	v1 =	vshrl.u32 v2, $0x3;
	s8 =	ssub.s32 s5, s31;
	s5 =	sadd.s32 s6, s7;
	s7 =	simm.s32 $0x2  }
0xf: {  	v0 =	vand.u32 $0x7, v2;
	v2 =	vor.u32 $0x8, v2;
	v1 =	vmul.u32 $0x8, v1;
	s4 =	sadd.s32 $0xA00, s4;
	s6 =	smax.u32 s8, $0x1;
	s8 =	simm.s32 $0x100  }
.LBB2_1:
0x10: {  	[tilespmem:s3], [sflag:$0x2] =	stream.linear.gather [hbm4b:s4+s3], $0x90, $0x38;
	[tilespmem:$0x9100] =	vst v63  }
0x11: {  	_ =	swait.ge [sflag:s7], $0x90  }
0x12: {  	[sflag:s7] =	ssyncset.done $0x0  }
0x13: {  	[sflag:s7] =	ssyncadd.s32 $0xFFFFFF70  }
0x14: {  	v3 =	vld [tilespmem:$0x0];
	_ =	sdelay $0x4  }
0x15: {  	v4 =	vshll.u32 v3, $0x1  }
0x16: {  	v3 =	vand.u32 $0x7, v3;
	v4 =	vand.u32 $0xFFFFFFF0, v4  }
0x17: {  	v3 =	vor.u32 v3, v4  }
0x18: {  	v4 =	vperm.xlane v3, v0;
	_ =	sdelay $0x1  }
0x19: {  	v3 =	vperm.xlane v3, v2;
	v4 =	vadd.s32 v1, v4;
	_ =	sdelay $0x1  }
0x1a: {  	v3 =	vadd.s32 v1, v3;
	_ =	sdelay $0x2  }
0x1b: {  	[tilespmem:s8], [sflag:$0x1] =	stream.indirect_vreg.gather [hbm4b:s1+s3], $0x80, v4, vm0, $0xb8;
	[tilespmem:$0x9100] =	vst v63  }
0x1c: {  	_ = 	snop  }
0x1d: {  	[tilespmem:s9], [sflag:$0x1] =	stream.indirect_vreg.gather [hbm4b:s1+s3], $0x80, v3, vm0, $0xb8;
	[tilespmem:$0x9100] =	vst v63  }
0x1e: {  	v3 =	vld [tilespmem:$0x10];
	_ =	sdelay $0x4  }
0x1f: {  	v56 =	vshll.u32 v3, $0x1  }
0x20: {  	v3 =	vand.u32 $0x7, v3;
	v4 =	vand.u32 $0xFFFFFFF0, v56  }
0x21: {  	v3 =	vor.u32 v3, v4  }
0x22: {  	v4 =	vperm.xlane v3, v0;
	_ =	sdelay $0x1  }
0x23: {  	v3 =	vperm.xlane v3, v2;
	v4 =	vadd.s32 v1, v4;
	_ =	sdelay $0x1  }
0x24: {  	v3 =	vadd.s32 v1, v3;
	_ =	sdelay $0x2  }
0x25: {  	[tilespmem:s10], [sflag:$0x1] =	stream.indirect_vreg.gather [hbm4b:s1+s3], $0x80, v4, vm0, $0xb8;
	[tilespmem:$0x9100] =	vst v63  }
0x26: {  	_ = 	snop  }
0x27: {  	[tilespmem:s11], [sflag:$0x1] =	stream.indirect_vreg.gather [hbm4b:s1+s3], $0x80, v3, vm0, $0xb8;
	[tilespmem:$0x9100] =	vst v63  }
0x28: {  	v3 =	vld [tilespmem:$0x20];
	_ =	sdelay $0x4  }
0x29: {  	v57 =	vshll.u32 v3, $0x1  }
0x2a: {  	v3 =	vand.u32 $0x7, v3;
	v4 =	vand.u32 $0xFFFFFFF0, v57  }
0x2b: {  	v3 =	vor.u32 v3, v4  }
0x2c: {  	v4 =	vperm.xlane v3, v0;
	_ =	sdelay $0x1  }
0x2d: {  	v3 =	vperm.xlane v3, v2;
	v4 =	vadd.s32 v1, v4;
	_ =	sdelay $0x1  }
0x2e: {  	v3 =	vadd.s32 v1, v3;
	_ =	sdelay $0x2  }
0x2f: {  	[tilespmem:s12], [sflag:$0x1] =	stream.indirect_vreg.gather [hbm4b:s1+s3], $0x80, v4, vm0, $0xb8;
	[tilespmem:$0x9100] =	vst v63  }
0x30: {  	_ = 	snop  }
0x31: {  	[tilespmem:s13], [sflag:$0x1] =	stream.indirect_vreg.gather [hbm4b:s1+s3], $0x80, v3, vm0, $0xb8;
	[tilespmem:$0x9100] =	vst v63  }
0x32: {  	v3 =	vld [tilespmem:$0x30];
	_ =	sdelay $0x4  }
0x33: {  	v58 =	vshll.u32 v3, $0x1  }
0x34: {  	v3 =	vand.u32 $0x7, v3;
	v4 =	vand.u32 $0xFFFFFFF0, v58  }
0x35: {  	v3 =	vor.u32 v3, v4  }
0x36: {  	v4 =	vperm.xlane v3, v0;
	_ =	sdelay $0x1  }
0x37: {  	v3 =	vperm.xlane v3, v2;
	v4 =	vadd.s32 v1, v4;
	_ =	sdelay $0x1  }
0x38: {  	v3 =	vadd.s32 v1, v3;
	_ =	sdelay $0x2  }
0x39: {  	[tilespmem:s14], [sflag:$0x1] =	stream.indirect_vreg.gather [hbm4b:s1+s3], $0x80, v4, vm0, $0xb8;
	[tilespmem:$0x9100] =	vst v63  }
0x3a: {  	_ = 	snop  }
0x3b: {  	[tilespmem:s15], [sflag:$0x1] =	stream.indirect_vreg.gather [hbm4b:s1+s3], $0x80, v3, vm0, $0xb8;
	[tilespmem:$0x9100] =	vst v63  }
0x3c: {  	v3 =	vld [tilespmem:$0x40];
	_ =	sdelay $0x4  }
0x3d: {  	v59 =	vshll.u32 v3, $0x1  }
0x3e: {  	v3 =	vand.u32 $0x7, v3;
	v4 =	vand.u32 $0xFFFFFFF0, v59  }
0x3f: {  	v3 =	vor.u32 v3, v4  }
0x40: {  	v4 =	vperm.xlane v3, v0;
	_ =	sdelay $0x1  }
0x41: {  	v3 =	vperm.xlane v3, v2;
	v4 =	vadd.s32 v1, v4;
	_ =	sdelay $0x1  }
0x42: {  	v3 =	vadd.s32 v1, v3;
	_ =	sdelay $0x2  }
0x43: {  	[tilespmem:s16], [sflag:$0x1] =	stream.indirect_vreg.gather [hbm4b:s1+s3], $0x80, v4, vm0, $0xb8;
	[tilespmem:$0x9100] =	vst v63  }
0x44: {  	_ = 	snop  }
0x45: {  	[tilespmem:s17], [sflag:$0x1] =	stream.indirect_vreg.gather [hbm4b:s1+s3], $0x80, v3, vm0, $0xb8;
	[tilespmem:$0x9100] =	vst v63  }
0x46: {  	v3 =	vld [tilespmem:$0x50];
	_ =	sdelay $0x4  }
0x47: {  	v60 =	vshll.u32 v3, $0x1  }
0x48: {  	v3 =	vand.u32 $0x7, v3;
	v4 =	vand.u32 $0xFFFFFFF0, v60  }
0x49: {  	v3 =	vor.u32 v3, v4  }
0x4a: {  	v4 =	vperm.xlane v3, v0;
	_ =	sdelay $0x1  }
0x4b: {  	v3 =	vperm.xlane v3, v2;
	v4 =	vadd.s32 v1, v4;
	_ =	sdelay $0x1  }
0x4c: {  	v3 =	vadd.s32 v1, v3;
	_ =	sdelay $0x2  }
0x4d: {  	[tilespmem:s18], [sflag:$0x1] =	stream.indirect_vreg.gather [hbm4b:s1+s3], $0x80, v4, vm0, $0xb8;
	[tilespmem:$0x9100] =	vst v63  }
0x4e: {  	_ = 	snop  }
0x4f: {  	[tilespmem:s19], [sflag:$0x1] =	stream.indirect_vreg.gather [hbm4b:s1+s3], $0x80, v3, vm0, $0xb8;
	[tilespmem:$0x9100] =	vst v63  }
0x50: {  	v3 =	vld [tilespmem:$0x60];
	_ =	sdelay $0x4  }
0x51: {  	v61 =	vshll.u32 v3, $0x1  }
0x52: {  	v3 =	vand.u32 $0x7, v3;
	v4 =	vand.u32 $0xFFFFFFF0, v61  }
0x53: {  	v3 =	vor.u32 v3, v4  }
0x54: {  	v4 =	vperm.xlane v3, v0;
	_ =	sdelay $0x1  }
0x55: {  	v3 =	vperm.xlane v3, v2;
	v4 =	vadd.s32 v1, v4;
	_ =	sdelay $0x1  }
0x56: {  	v3 =	vadd.s32 v1, v3;
	_ =	sdelay $0x2  }
0x57: {  	[tilespmem:s20], [sflag:$0x1] =	stream.indirect_vreg.gather [hbm4b:s1+s3], $0x80, v4, vm0, $0xb8;
	[tilespmem:$0x9100] =	vst v63  }
0x58: {  	_ = 	snop  }
0x59: {  	[tilespmem:s21], [sflag:$0x1] =	stream.indirect_vreg.gather [hbm4b:s1+s3], $0x80, v3, vm0, $0xb8;
	[tilespmem:$0x9100] =	vst v63  }
0x5a: {  	v3 =	vld [tilespmem:$0x70];
	_ =	sdelay $0x4  }
0x5b: {  	v62 =	vshll.u32 v3, $0x1  }
0x5c: {  	v3 =	vand.u32 $0x7, v3;
	v4 =	vand.u32 $0xFFFFFFF0, v62  }
0x5d: {  	v3 =	vor.u32 v3, v4  }
0x5e: {  	v4 =	vperm.xlane v3, v0;
	_ =	sdelay $0x1  }
0x5f: {  	v3 =	vperm.xlane v3, v2;
	v4 =	vadd.s32 v1, v4;
	_ =	sdelay $0x1  }
0x60: {  	v3 =	vadd.s32 v1, v3;
	_ =	sdelay $0x2  }
0x61: {  	[tilespmem:s22], [sflag:$0x1] =	stream.indirect_vreg.gather [hbm4b:s1+s3], $0x80, v4, vm0, $0xb8;
	[tilespmem:$0x9100] =	vst v63  }
0x62: {  	_ = 	snop  }
0x63: {  	[tilespmem:s23], [sflag:$0x1] =	stream.indirect_vreg.gather [hbm4b:s1+s3], $0x80, v3, vm0, $0xb8;
	[tilespmem:$0x9100] =	vst v63  }
0x64: {  	v3 =	vld [tilespmem:$0x80];
	_ =	sdelay $0x4  }
0x65: {  	v63 =	vshll.u32 v3, $0x1  }
0x66: {  	v3 =	vand.u32 $0x7, v3;
	v4 =	vand.u32 $0xFFFFFFF0, v63  }
0x67: {  	v3 =	vor.u32 v3, v4  }
0x68: {  	v4 =	vperm.xlane v3, v0;
	_ =	sdelay $0x1  }
0x69: {  	v3 =	vperm.xlane v3, v2;
	v4 =	vadd.s32 v1, v4;
	_ =	sdelay $0x1  }
0x6a: {  	v3 =	vadd.s32 v1, v3;
	_ =	sdelay $0x2  }
0x6b: {  	[tilespmem:s24], [sflag:$0x1] =	stream.indirect_vreg.gather [hbm4b:s1+s3], $0x80, v4, vm0, $0xb8;
	[tilespmem:$0x9100] =	vst v63  }
0x6c: {  	_ = 	snop  }
0x6d: {  	[tilespmem:s25], [sflag:$0x1] =	stream.indirect_vreg.gather [hbm4b:s1+s3], $0x80, v3, vm0, $0xb8;
	[tilespmem:$0x9100] =	vst v63  }
0x6e: {  	_ =	swait.ge [sflag:s26], $0x9000  }
0x6f: {  	p0 =	sne.s32 s6, $0x1;
	[sflag:s26] =	ssyncset.done $0x0  }
.Ltmp0:
0x70: {  	[sflag:s26] =	ssyncadd.s32 $0xFFFF7000;
	(pc) =	sbr.rel @p0 .LBB2_1-.Ltmp0, $4  }
0x71: {  	[hbm4b:s5+s3] =	stream.linear.scatter [tilespmem:s8], [sflag:$0x2], $0x9000, $0x38;
	[tilespmem:$0x9100] =	vst v63  }
0x72: {  	_ =	swait.ge [sflag:s7], $0x9000  }
0x73: {  	[sflag:s7] =	ssyncset.done $0x0  }
0x74: {  	s6 =	sadd.s32 $0xFFFFFFFF, s6;
	[sflag:s7] =	ssyncadd.s32 $0xFFFF7000  }
0x75: {  	_ =	sfence.sel $0x180000  }
0x76: {  	[bflag:$0x0] =	sbarrier.arrive $0xFFFF  }
0x77: {  	p0 =	sne.s32 s0, $0x0;
	_ =	strace $0x90000047  }
0x78: {  	s0 =	sadd.s32 @!p0 $0x100000, s2;
	[bflag:$0x2] =	sbarrier.arrive $0xFFFF  }
0x79: {  	[sflag:s0] =	ssyncadd.tile.s32 @!p0 $0x1;
	_ =	shalt  }
.Lfunc_end2:
_tile_overlayer_lowered:
.L_overlay_start_2:
0x7a: {  	(tag) =	ssettag $0x2  }
0x7b: {  	s0 =	rddreg [dreg:$0x0];
	s2 =	stileid.u32  }
0x7c: {  	s1 =	rddreg [dreg:$0x1];
	p0 =	sne.s32 s2, $0x0  }
0x7d: {  	s3 =	rddreg [dreg:$0x2];
	[bflag:$0x3] =	sbarrier.arrive $0xFFFF;
	s2 =	simm.s32 @!p0 $0x1C02  }
0x7e: {  	[timem:s3], [sflag:s2] =	dma.local @!p0 [hbm:s0], s1  }
0x7f: {  	s0 =	simm.s32 @!p0 $0x2  }
0x80: {  	_ =	swait.ge @!p0 [sflag:s0], s1  }
0x81: {  	s1 =	ssub.s32 @!p0 $0x0, s1;
	[sflag:s0] =	ssyncset.done @!p0 $0x0  }
0x82: {  	[sflag:s0] =	ssyncadd.s32 @!p0 s1  }
0x83: {  	[bflag:$0x3] =	sbarrier.arrive $0xFFFF  }
0x84: {  	_ =	shalt  }

</sc_bundles>
